<compile_context>
chip_gen: v7x
topology: tpu7x:2x2x1
jax: 0.10.2.dev20260603
libtpu: 0.0.44.dev20260713+nightly
codegen_flags: <defaults>
</compile_context>

<pallas_src>
import jax
import jax.numpy as jnp
from jax import lax
from jax.experimental import pallas as pl
from jax.experimental.pallas import tpu as pltpu
from jax.experimental.pallas import tpu_sc as plsc

_BATCH = 4096
_FIELDS = 26
_NC = 2
_NS = 16
_NW = _NC * _NS
_BPW = _BATCH // _NW
_IPW = _BPW * _FIELDS
_L = 16


_H = _IPW // 2
_HF = _FIELDS // 2


def _sc_body(xt_hbm, w_hbm, b_hbm, out_hbm, idx_v, vals_v, out_v, brow_v, sem, sem2, sem3):
    wid = lax.axis_index("s") * _NC + lax.axis_index("c")
    w1 = w_hbm.at[0]
    bg = pltpu.async_copy(b_hbm.at[0], brow_v, sem3)
    base = wid * _IPW
    cp_a = pltpu.async_copy(
        xt_hbm.at[pl.ds(base, _H)], idx_v.at[pl.ds(0, _H)], sem)
    cp_b = pltpu.async_copy(
        xt_hbm.at[pl.ds(base + _H, _H)], idx_v.at[pl.ds(_H, _H)], sem2)
    cp_a.wait()
    g_a = pltpu.async_copy(
        w1.at[idx_v.at[pl.ds(0, _H)]], vals_v.at[pl.ds(0, _H)], sem)
    cp_b.wait()
    g_b = pltpu.async_copy(
        w1.at[idx_v.at[pl.ds(_H, _H)]], vals_v.at[pl.ds(_H, _H)], sem2)
    bg.wait()
    bias_vec = brow_v[pl.ds(0, _L)]
    g_a.wait()
    accs = []
    for chunk in range(_BPW // _L):
        acc = bias_vec
        for j in range(0, _HF):
            acc = acc + vals_v[pl.ds(j * _BPW + chunk * _L, _L)]
        accs.append(acc)
    g_b.wait()
    for chunk in range(_BPW // _L):
        acc = accs[chunk]
        for j in range(_HF, _FIELDS):
            acc = acc + vals_v[pl.ds(j * _BPW + chunk * _L, _L)]
        out_v[pl.ds(chunk * _L, _L)] = acc
    pltpu.sync_copy(out_v, out_hbm.at[pl.ds(wid * _BPW, _BPW)])


def _flatten_table(fc_weight):
    return fc_weight.reshape(1, -1)


def kernel(x, fc_weight, bias):
    xt = jnp.transpose(
        x.astype(jnp.int32).reshape(_NW, _BPW, _FIELDS), (0, 2, 1)
    ).reshape(-1)
    mesh = plsc.VectorSubcoreMesh(core_axis_name="c", subcore_axis_name="s")
    out = pl.kernel(
        _sc_body,
        out_type=jax.ShapeDtypeStruct((_BATCH,), jnp.float32),
        mesh=mesh,
        scratch_types=[
            pltpu.VMEM((_IPW,), jnp.int32),
            pltpu.VMEM((_IPW,), jnp.float32),
            pltpu.VMEM((_BPW,), jnp.float32),
            pltpu.VMEM((_L,), jnp.float32),
            pltpu.SemaphoreType.DMA,
            pltpu.SemaphoreType.DMA,
            pltpu.SemaphoreType.DMA,
        ],
    )(xt, _flatten_table(fc_weight), jnp.broadcast_to(bias.reshape(1, 1), (1, _L)))
    return out.reshape(_BATCH, 1)

# --- scband reference (transcript-rebuilt; emitter-appended) ---
"""Pipeline reference for scband-features-linear-9586367004831 (READ-ONLY COPY).

The authoritative reference and input builder live on the scoring server;
editing this copy changes nothing except your own understanding.
"""

import jax, jax.numpy as jnp
import numpy as np

FIELD_DIMS = 1000000
OUTPUT_DIM = 1
BATCH = 4096
NUM_FIELDS = 26

def setup_inputs(seed: int = 0) -> dict:
    key = jax.random.key(seed)
    k1, k2, k3 = jax.random.split(key, 3)
    x = jax.random.randint(k1, (BATCH, NUM_FIELDS), 0, FIELD_DIMS, dtype=jnp.int64 if jax.config.read('jax_enable_x64') else jnp.int32)
    fc_weight = jax.random.normal(k2, (FIELD_DIMS, OUTPUT_DIM), dtype=jnp.float32) * 0.01
    bias = jnp.zeros((OUTPUT_DIM,), dtype=jnp.float32)
    return {"x": x, "fc_weight": fc_weight, "bias": bias}

def reference(x, fc_weight, bias):
    # torch.nn.Embedding lookup: (B, F) -> (B, F, output_dim)
    emb = jnp.take(fc_weight, x, axis=0)
    # sum over fields dim=1, add bias
    out = jnp.sum(emb, axis=1) + bias
    return out

if __name__ == "__main__":
    import jax
    _d = setup_inputs()
    print(jax.jit(kernel)(*tuple(_d.values())))

</pallas_src>

<mosaic_0001>
#map = affine_map<(d0, d1) -> (0)>
#map1 = affine_map<(d0, d1) -> (0, 0)>
module attributes {stable_mosaic.version = 14 : i64} {
  func.func @_sc_body(%arg0: i32, %arg1: i32, %arg2: memref<106496xi32, #tpu.memory_space<hbm>>, %arg3: memref<1x1000000xf32, #tpu.memory_space<hbm>>, %arg4: memref<1x16xf32, #tpu.memory_space<hbm>>, %arg5: memref<4096xf32, #tpu.memory_space<hbm>>, %arg6: memref<3328xi32, #tpu.memory_space<vmem>>, %arg7: memref<3328xf32, #tpu.memory_space<vmem>>, %arg8: memref<128xf32, #tpu.memory_space<vmem>>, %arg9: memref<16xf32, #tpu.memory_space<vmem>>, %arg10: memref<!tpu.dma_semaphore, #tpu.memory_space<semaphore_mem>>, %arg11: memref<!tpu.dma_semaphore, #tpu.memory_space<semaphore_mem>>, %arg12: memref<!tpu.dma_semaphore, #tpu.memory_space<semaphore_mem>>) attributes {dimension_semantics = [#tpu.dimension_semantics<core_parallel>, #tpu.dimension_semantics<subcore_parallel>], iteration_bounds = array<i64: 2, 16>, scalar_prefetch = 0 : i64, scratch_operands = 7 : i64, tpu.core_type = #tpu.core_type<sc_vector_subcore>, window_params = [{transform_indices = #map}, {transform_indices = #map1}, {transform_indices = #map1}, {transform_indices = #map}]} {
    %mul3A = arith.constant 2 : i32
    %mul3A_0 = arith.muli %arg1, %mul3A : i32
    %add3A = arith.addi %mul3A_0, %arg0 : i32
    %dma_start3A = arith.constant 0 : i32
    %dma_start3A_1 = arith.constant 0 : i32
    %dma_start3A_2 = tpu.memref_slice %arg4[%dma_start3A, %dma_start3A_1] : memref<1x16xf32, #tpu.memory_space<hbm>> -> memref<1x16xf32, #tpu.memory_space<hbm>>
    %dma_start3A_3 = tpu.memref_squeeze %dma_start3A_2 : memref<1x16xf32, #tpu.memory_space<hbm>> -> memref<16xf32, #tpu.memory_space<hbm>>
    %dma_start3A_4 = arith.constant 0 : i32
    %dma_start3A_5 = tpu.memref_slice %arg4[%dma_start3A, %dma_start3A_4] : memref<1x16xf32, #tpu.memory_space<hbm>> -> memref<1x16xf32, #tpu.memory_space<hbm>>
    %dma_start3A_6 = tpu.memref_squeeze %dma_start3A_5 : memref<1x16xf32, #tpu.memory_space<hbm>> -> memref<16xf32, #tpu.memory_space<hbm>>
    tpu.enqueue_dma source(%dma_start3A_6 : memref<16xf32, #tpu.memory_space<hbm>>) target(%arg9 : memref<16xf32, #tpu.memory_space<vmem>>) target_semaphore(%arg12 : memref<!tpu.dma_semaphore, #tpu.memory_space<semaphore_mem>>)
    %mul3A_7 = arith.constant 3328 : i32
    %mul3A_8 = arith.muli %add3A, %mul3A_7 : i32
    %dma_start3A_9 = arith.constant 0 : i32
    %dma_start3A_10 = tpu.memref_slice %arg6[%dma_start3A_9] : memref<3328xi32, #tpu.memory_space<vmem>> -> memref<1664xi32, #tpu.memory_space<vmem>>
    %dma_start3A_11 = tpu.memref_slice %arg2[%mul3A_8] : memref<106496xi32, #tpu.memory_space<hbm>> -> memref<1664xi32, #tpu.memory_space<hbm>>
    %dma_start3A_12 = arith.constant 0 : i32
    %dma_start3A_13 = tpu.memref_slice %arg6[%dma_start3A_12] : memref<3328xi32, #tpu.memory_space<vmem>> -> memref<1664xi32, #tpu.memory_space<vmem>>
    %dma_start3A_14 = tpu.memref_slice %arg2[%mul3A_8] : memref<106496xi32, #tpu.memory_space<hbm>> -> memref<1664xi32, #tpu.memory_space<hbm>>
    tpu.enqueue_dma source(%dma_start3A_14 : memref<1664xi32, #tpu.memory_space<hbm>>) target(%dma_start3A_13 : memref<1664xi32, #tpu.memory_space<vmem>>) target_semaphore(%arg10 : memref<!tpu.dma_semaphore, #tpu.memory_space<semaphore_mem>>)
    %add3A_15 = arith.constant 1664 : i32
    %add3A_16 = arith.addi %mul3A_8, %add3A_15 : i32
    %dma_start3A_17 = arith.constant 1664 : i32
    %dma_start3A_18 = tpu.memref_slice %arg6[%dma_start3A_17] : memref<3328xi32, #tpu.memory_space<vmem>> -> memref<1664xi32, #tpu.memory_space<vmem>>
    %dma_start3A_19 = tpu.memref_slice %arg2[%add3A_16] : memref<106496xi32, #tpu.memory_space<hbm>> -> memref<1664xi32, #tpu.memory_space<hbm>>
    %dma_start3A_20 = arith.constant 1664 : i32
    %dma_start3A_21 = tpu.memref_slice %arg6[%dma_start3A_20] : memref<3328xi32, #tpu.memory_space<vmem>> -> memref<1664xi32, #tpu.memory_space<vmem>>
    %dma_start3A_22 = tpu.memref_slice %arg2[%add3A_16] : memref<106496xi32, #tpu.memory_space<hbm>> -> memref<1664xi32, #tpu.memory_space<hbm>>
    tpu.enqueue_dma source(%dma_start3A_22 : memref<1664xi32, #tpu.memory_space<hbm>>) target(%dma_start3A_21 : memref<1664xi32, #tpu.memory_space<vmem>>) target_semaphore(%arg11 : memref<!tpu.dma_semaphore, #tpu.memory_space<semaphore_mem>>)
    %dma_wait3A = arith.constant 0 : i32
    %dma_wait3A_23 = tpu.memref_slice %arg6[%dma_wait3A] : memref<3328xi32, #tpu.memory_space<vmem>> -> memref<1664xi32, #tpu.memory_space<vmem>>
    %dma_wait3A_24 = tpu.memref_slice %arg2[%mul3A_8] : memref<106496xi32, #tpu.memory_space<hbm>> -> memref<1664xi32, #tpu.memory_space<hbm>>
    %dma_wait3A_25 = arith.constant 0 : i32
    %dma_wait3A_26 = tpu.memref_slice %arg6[%dma_wait3A_25] : memref<3328xi32, #tpu.memory_space<vmem>> -> memref<1664xi32, #tpu.memory_space<vmem>>
    %dma_wait3A_27 = tpu.memref_slice %arg2[%mul3A_8] : memref<106496xi32, #tpu.memory_space<hbm>> -> memref<1664xi32, #tpu.memory_space<hbm>>
    tpu.wait_dma2 semaphore(%arg10 : memref<!tpu.dma_semaphore, #tpu.memory_space<semaphore_mem>>) src(%dma_wait3A_27 : memref<1664xi32, #tpu.memory_space<hbm>>) dst(%dma_wait3A_26 : memref<1664xi32, #tpu.memory_space<vmem>>)
    %dma_start3A_28 = arith.constant 0 : i32
    %dma_start3A_29 = arith.constant 0 : i32
    %dma_start3A_30 = tpu.memref_slice %arg7[%dma_start3A_29] : memref<3328xf32, #tpu.memory_space<vmem>> -> memref<1664xf32, #tpu.memory_space<vmem>>
    %dma_start3A_31 = arith.constant 0 : i32
    %dma_start3A_32 = tpu.memref_slice %arg6[%dma_start3A_31] : memref<3328xi32, #tpu.memory_space<vmem>> -> memref<1664xi32, #tpu.memory_space<vmem>>
    %dma_start3A_33 = arith.constant 0 : i32
    %dma_start3A_34 = tpu.memref_slice %arg3[%dma_start3A_28, %dma_start3A_33] : memref<1x1000000xf32, #tpu.memory_space<hbm>> -> memref<1x1000000xf32, #tpu.memory_space<hbm>>
    %dma_start3A_35 = tpu.memref_squeeze %dma_start3A_34 : memref<1x1000000xf32, #tpu.memory_space<hbm>> -> memref<1000000xf32, #tpu.memory_space<hbm>>
    %dma_start3A_36 = arith.constant 0 : i32
    %dma_start3A_37 = tpu.memref_slice %dma_start3A_35[%dma_start3A_36] : memref<1000000xf32, #tpu.memory_space<hbm>> -> memref<1000000xf32, #tpu.memory_space<hbm>>
    tpu.enqueue_indirect_dma source(%dma_start3A_37 : memref<1000000xf32, #tpu.memory_space<hbm>>) target(%dma_start3A_30 : memref<1664xf32, #tpu.memory_space<vmem>>) offsets(%dma_start3A_32 : memref<1664xi32, #tpu.memory_space<vmem>>) semaphore(%arg10 : memref<!tpu.dma_semaphore, #tpu.memory_space<semaphore_mem>>)
    %dma_wait3A_38 = arith.constant 1664 : i32
    %dma_wait3A_39 = tpu.memref_slice %arg6[%dma_wait3A_38] : memref<3328xi32, #tpu.memory_space<vmem>> -> memref<1664xi32, #tpu.memory_space<vmem>>
    %dma_wait3A_40 = tpu.memref_slice %arg2[%add3A_16] : memref<106496xi32, #tpu.memory_space<hbm>> -> memref<1664xi32, #tpu.memory_space<hbm>>
    %dma_wait3A_41 = arith.constant 1664 : i32
    %dma_wait3A_42 = tpu.memref_slice %arg6[%dma_wait3A_41] : memref<3328xi32, #tpu.memory_space<vmem>> -> memref<1664xi32, #tpu.memory_space<vmem>>
    %dma_wait3A_43 = tpu.memref_slice %arg2[%add3A_16] : memref<106496xi32, #tpu.memory_space<hbm>> -> memref<1664xi32, #tpu.memory_space<hbm>>
    tpu.wait_dma2 semaphore(%arg11 : memref<!tpu.dma_semaphore, #tpu.memory_space<semaphore_mem>>) src(%dma_wait3A_43 : memref<1664xi32, #tpu.memory_space<hbm>>) dst(%dma_wait3A_42 : memref<1664xi32, #tpu.memory_space<vmem>>)
    %dma_start3A_44 = arith.constant 0 : i32
    %dma_start3A_45 = arith.constant 1664 : i32
    %dma_start3A_46 = tpu.memref_slice %arg7[%dma_start3A_45] : memref<3328xf32, #tpu.memory_space<vmem>> -> memref<1664xf32, #tpu.memory_space<vmem>>
    %dma_start3A_47 = arith.constant 1664 : i32
    %dma_start3A_48 = tpu.memref_slice %arg6[%dma_start3A_47] : memref<3328xi32, #tpu.memory_space<vmem>> -> memref<1664xi32, #tpu.memory_space<vmem>>
    %dma_start3A_49 = arith.constant 0 : i32
    %dma_start3A_50 = tpu.memref_slice %arg3[%dma_start3A_44, %dma_start3A_49] : memref<1x1000000xf32, #tpu.memory_space<hbm>> -> memref<1x1000000xf32, #tpu.memory_space<hbm>>
    %dma_start3A_51 = tpu.memref_squeeze %dma_start3A_50 : memref<1x1000000xf32, #tpu.memory_space<hbm>> -> memref<1000000xf32, #tpu.memory_space<hbm>>
    %dma_start3A_52 = arith.constant 0 : i32
    %dma_start3A_53 = tpu.memref_slice %dma_start3A_51[%dma_start3A_52] : memref<1000000xf32, #tpu.memory_space<hbm>> -> memref<1000000xf32, #tpu.memory_space<hbm>>
    tpu.enqueue_indirect_dma source(%dma_start3A_53 : memref<1000000xf32, #tpu.memory_space<hbm>>) target(%dma_start3A_46 : memref<1664xf32, #tpu.memory_space<vmem>>) offsets(%dma_start3A_48 : memref<1664xi32, #tpu.memory_space<vmem>>) semaphore(%arg11 : memref<!tpu.dma_semaphore, #tpu.memory_space<semaphore_mem>>)
    %dma_wait3A_54 = arith.constant 0 : i32
    %dma_wait3A_55 = arith.constant 0 : i32
    %dma_wait3A_56 = tpu.memref_slice %arg4[%dma_wait3A_54, %dma_wait3A_55] : memref<1x16xf32, #tpu.memory_space<hbm>> -> memref<1x16xf32, #tpu.memory_space<hbm>>
    %dma_wait3A_57 = tpu.memref_squeeze %dma_wait3A_56 : memref<1x16xf32, #tpu.memory_space<hbm>> -> memref<16xf32, #tpu.memory_space<hbm>>
    %dma_wait3A_58 = arith.constant 0 : i32
    %dma_wait3A_59 = tpu.memref_slice %arg4[%dma_wait3A_54, %dma_wait3A_58] : memref<1x16xf32, #tpu.memory_space<hbm>> -> memref<1x16xf32, #tpu.memory_space<hbm>>
    %dma_wait3A_60 = tpu.memref_squeeze %dma_wait3A_59 : memref<1x16xf32, #tpu.memory_space<hbm>> -> memref<16xf32, #tpu.memory_space<hbm>>
    tpu.wait_dma2 semaphore(%arg12 : memref<!tpu.dma_semaphore, #tpu.memory_space<semaphore_mem>>) src(%dma_wait3A_60 : memref<16xf32, #tpu.memory_space<hbm>>) dst(%arg9 : memref<16xf32, #tpu.memory_space<vmem>>)
    %get3A = arith.constant 0 : index
    %get3A_61 = tpu.vector_load %arg9[%get3A] {strides = array<i32>} : memref<16xf32, #tpu.memory_space<vmem>>, vector<16xf32>,
    %get3A_62 = vector.shape_cast %get3A_61 : vector<16xf32> to vector<16xf32>
    %dma_wait3A_63 = arith.constant 0 : i32
    %dma_wait3A_64 = arith.constant 0 : i32
    %dma_wait3A_65 = tpu.memref_slice %arg7[%dma_wait3A_64] : memref<3328xf32, #tpu.memory_space<vmem>> -> memref<1664xf32, #tpu.memory_space<vmem>>
    %dma_wait3A_66 = arith.constant 0 : i32
    %dma_wait3A_67 = tpu.memref_slice %arg6[%dma_wait3A_66] : memref<3328xi32, #tpu.memory_space<vmem>> -> memref<1664xi32, #tpu.memory_space<vmem>>
    %dma_wait3A_68 = arith.constant 0 : i32
    %dma_wait3A_69 = tpu.memref_slice %arg3[%dma_wait3A_63, %dma_wait3A_68] : memref<1x1000000xf32, #tpu.memory_space<hbm>> -> memref<1x1000000xf32, #tpu.memory_space<hbm>>
    %dma_wait3A_70 = tpu.memref_squeeze %dma_wait3A_69 : memref<1x1000000xf32, #tpu.memory_space<hbm>> -> memref<1000000xf32, #tpu.memory_space<hbm>>
    %dma_wait3A_71 = arith.constant 0 : i32
    %dma_wait3A_72 = tpu.memref_slice %dma_wait3A_70[%dma_wait3A_71] : memref<1000000xf32, #tpu.memory_space<hbm>> -> memref<1000000xf32, #tpu.memory_space<hbm>>
    tpu.wait_indirect_dma semaphore(%arg10 : memref<!tpu.dma_semaphore, #tpu.memory_space<semaphore_mem>>) src(%dma_wait3A_72 : memref<1000000xf32, #tpu.memory_space<hbm>>) dst(%dma_wait3A_65 : memref<1664xf32, #tpu.memory_space<vmem>>)
    %get3A_73 = arith.constant 0 : index
    %get3A_74 = tpu.vector_load %arg7[%get3A_73] {strides = array<i32>} : memref<3328xf32, #tpu.memory_space<vmem>>, vector<16xf32>,
    %get3A_75 = vector.shape_cast %get3A_74 : vector<16xf32> to vector<16xf32>
    %add3A_76 = arith.addf %get3A_62, %get3A_75 : vector<16xf32>
    %get3A_77 = arith.constant 128 : index
    %get3A_78 = tpu.vector_load %arg7[%get3A_77] {strides = array<i32>} : memref<3328xf32, #tpu.memory_space<vmem>>, vector<16xf32>,
    %get3A_79 = vector.shape_cast %get3A_78 : vector<16xf32> to vector<16xf32>
    %add3A_80 = arith.addf %add3A_76, %get3A_79 : vector<16xf32>
    %get3A_81 = arith.constant 256 : index
    %get3A_82 = tpu.vector_load %arg7[%get3A_81] {strides = array<i32>} : memref<3328xf32, #tpu.memory_space<vmem>>, vector<16xf32>,
    %get3A_83 = vector.shape_cast %get3A_82 : vector<16xf32> to vector<16xf32>
    %add3A_84 = arith.addf %add3A_80, %get3A_83 : vector<16xf32>
    %get3A_85 = arith.constant 384 : index
    %get3A_86 = tpu.vector_load %arg7[%get3A_85] {strides = array<i32>} : memref<3328xf32, #tpu.memory_space<vmem>>, vector<16xf32>,
    %get3A_87 = vector.shape_cast %get3A_86 : vector<16xf32> to vector<16xf32>
    %add3A_88 = arith.addf %add3A_84, %get3A_87 : vector<16xf32>
    %get3A_89 = arith.constant 512 : index
    %get3A_90 = tpu.vector_load %arg7[%get3A_89] {strides = array<i32>} : memref<3328xf32, #tpu.memory_space<vmem>>, vector<16xf32>,
    %get3A_91 = vector.shape_cast %get3A_90 : vector<16xf32> to vector<16xf32>
    %add3A_92 = arith.addf %add3A_88, %get3A_91 : vector<16xf32>
    %get3A_93 = arith.constant 640 : index
    %get3A_94 = tpu.vector_load %arg7[%get3A_93] {strides = array<i32>} : memref<3328xf32, #tpu.memory_space<vmem>>, vector<16xf32>,
    %get3A_95 = vector.shape_cast %get3A_94 : vector<16xf32> to vector<16xf32>
    %add3A_96 = arith.addf %add3A_92, %get3A_95 : vector<16xf32>
    %get3A_97 = arith.constant 768 : index
    %get3A_98 = tpu.vector_load %arg7[%get3A_97] {strides = array<i32>} : memref<3328xf32, #tpu.memory_space<vmem>>, vector<16xf32>,
    %get3A_99 = vector.shape_cast %get3A_98 : vector<16xf32> to vector<16xf32>
    %add3A_100 = arith.addf %add3A_96, %get3A_99 : vector<16xf32>
    %get3A_101 = arith.constant 896 : index
    %get3A_102 = tpu.vector_load %arg7[%get3A_101] {strides = array<i32>} : memref<3328xf32, #tpu.memory_space<vmem>>, vector<16xf32>,
    %get3A_103 = vector.shape_cast %get3A_102 : vector<16xf32> to vector<16xf32>
    %add3A_104 = arith.addf %add3A_100, %get3A_103 : vector<16xf32>
    %get3A_105 = arith.constant 1024 : index
    %get3A_106 = tpu.vector_load %arg7[%get3A_105] {strides = array<i32>} : memref<3328xf32, #tpu.memory_space<vmem>>, vector<16xf32>,
    %get3A_107 = vector.shape_cast %get3A_106 : vector<16xf32> to vector<16xf32>
    %add3A_108 = arith.addf %add3A_104, %get3A_107 : vector<16xf32>
    %get3A_109 = arith.constant 1152 : index
    %get3A_110 = tpu.vector_load %arg7[%get3A_109] {strides = array<i32>} : memref<3328xf32, #tpu.memory_space<vmem>>, vector<16xf32>,
    %get3A_111 = vector.shape_cast %get3A_110 : vector<16xf32> to vector<16xf32>
    %add3A_112 = arith.addf %add3A_108, %get3A_111 : vector<16xf32>
    %get3A_113 = arith.constant 1280 : index
    %get3A_114 = tpu.vector_load %arg7[%get3A_113] {strides = array<i32>} : memref<3328xf32, #tpu.memory_space<vmem>>, vector<16xf32>,
    %get3A_115 = vector.shape_cast %get3A_114 : vector<16xf32> to vector<16xf32>
    %add3A_116 = arith.addf %add3A_112, %get3A_115 : vector<16xf32>
    %get3A_117 = arith.constant 1408 : index
    %get3A_118 = tpu.vector_load %arg7[%get3A_117] {strides = array<i32>} : memref<3328xf32, #tpu.memory_space<vmem>>, vector<16xf32>,
    %get3A_119 = vector.shape_cast %get3A_118 : vector<16xf32> to vector<16xf32>
    %add3A_120 = arith.addf %add3A_116, %get3A_119 : vector<16xf32>
    %get3A_121 = arith.constant 1536 : index
    %get3A_122 = tpu.vector_load %arg7[%get3A_121] {strides = array<i32>} : memref<3328xf32, #tpu.memory_space<vmem>>, vector<16xf32>,
    %get3A_123 = vector.shape_cast %get3A_122 : vector<16xf32> to vector<16xf32>
    %add3A_124 = arith.addf %add3A_120, %get3A_123 : vector<16xf32>
    %get3A_125 = arith.constant 16 : index
    %get3A_126 = tpu.vector_load %arg7[%get3A_125] {strides = array<i32>} : memref<3328xf32, #tpu.memory_space<vmem>>, vector<16xf32>,
    %get3A_127 = vector.shape_cast %get3A_126 : vector<16xf32> to vector<16xf32>
    %add3A_128 = arith.addf %get3A_62, %get3A_127 : vector<16xf32>
    %get3A_129 = arith.constant 144 : index
    %get3A_130 = tpu.vector_load %arg7[%get3A_129] {strides = array<i32>} : memref<3328xf32, #tpu.memory_space<vmem>>, vector<16xf32>,
    %get3A_131 = vector.shape_cast %get3A_130 : vector<16xf32> to vector<16xf32>
    %add3A_132 = arith.addf %add3A_128, %get3A_131 : vector<16xf32>
    %get3A_133 = arith.constant 272 : index
    %get3A_134 = tpu.vector_load %arg7[%get3A_133] {strides = array<i32>} : memref<3328xf32, #tpu.memory_space<vmem>>, vector<16xf32>,
    %get3A_135 = vector.shape_cast %get3A_134 : vector<16xf32> to vector<16xf32>
    %add3A_136 = arith.addf %add3A_132, %get3A_135 : vector<16xf32>
    %get3A_137 = arith.constant 400 : index
    %get3A_138 = tpu.vector_load %arg7[%get3A_137] {strides = array<i32>} : memref<3328xf32, #tpu.memory_space<vmem>>, vector<16xf32>,
    %get3A_139 = vector.shape_cast %get3A_138 : vector<16xf32> to vector<16xf32>
    %add3A_140 = arith.addf %add3A_136, %get3A_139 : vector<16xf32>
    %get3A_141 = arith.constant 528 : index
    %get3A_142 = tpu.vector_load %arg7[%get3A_141] {strides = array<i32>} : memref<3328xf32, #tpu.memory_space<vmem>>, vector<16xf32>,
    %get3A_143 = vector.shape_cast %get3A_142 : vector<16xf32> to vector<16xf32>
    %add3A_144 = arith.addf %add3A_140, %get3A_143 : vector<16xf32>
    %get3A_145 = arith.constant 656 : index
    %get3A_146 = tpu.vector_load %arg7[%get3A_145] {strides = array<i32>} : memref<3328xf32, #tpu.memory_space<vmem>>, vector<16xf32>,
    %get3A_147 = vector.shape_cast %get3A_146 : vector<16xf32> to vector<16xf32>
    %add3A_148 = arith.addf %add3A_144, %get3A_147 : vector<16xf32>
    %get3A_149 = arith.constant 784 : index
    %get3A_150 = tpu.vector_load %arg7[%get3A_149] {strides = array<i32>} : memref<3328xf32, #tpu.memory_space<vmem>>, vector<16xf32>,
    %get3A_151 = vector.shape_cast %get3A_150 : vector<16xf32> to vector<16xf32>
    %add3A_152 = arith.addf %add3A_148, %get3A_151 : vector<16xf32>
    %get3A_153 = arith.constant 912 : index
    %get3A_154 = tpu.vector_load %arg7[%get3A_153] {strides = array<i32>} : memref<3328xf32, #tpu.memory_space<vmem>>, vector<16xf32>,
    %get3A_155 = vector.shape_cast %get3A_154 : vector<16xf32> to vector<16xf32>
    %add3A_156 = arith.addf %add3A_152, %get3A_155 : vector<16xf32>
    %get3A_157 = arith.constant 1040 : index
    %get3A_158 = tpu.vector_load %arg7[%get3A_157] {strides = array<i32>} : memref<3328xf32, #tpu.memory_space<vmem>>, vector<16xf32>,
    %get3A_159 = vector.shape_cast %get3A_158 : vector<16xf32> to vector<16xf32>
    %add3A_160 = arith.addf %add3A_156, %get3A_159 : vector<16xf32>
    %get3A_161 = arith.constant 1168 : index
    %get3A_162 = tpu.vector_load %arg7[%get3A_161] {strides = array<i32>} : memref<3328xf32, #tpu.memory_space<vmem>>, vector<16xf32>,
    %get3A_163 = vector.shape_cast %get3A_162 : vector<16xf32> to vector<16xf32>
    %add3A_164 = arith.addf %add3A_160, %get3A_163 : vector<16xf32>
    %get3A_165 = arith.constant 1296 : index
    %get3A_166 = tpu.vector_load %arg7[%get3A_165] {strides = array<i32>} : memref<3328xf32, #tpu.memory_space<vmem>>, vector<16xf32>,
    %get3A_167 = vector.shape_cast %get3A_166 : vector<16xf32> to vector<16xf32>
    %add3A_168 = arith.addf %add3A_164, %get3A_167 : vector<16xf32>
    %get3A_169 = arith.constant 1424 : index
    %get3A_170 = tpu.vector_load %arg7[%get3A_169] {strides = array<i32>} : memref<3328xf32, #tpu.memory_space<vmem>>, vector<16xf32>,
    %get3A_171 = vector.shape_cast %get3A_170 : vector<16xf32> to vector<16xf32>
    %add3A_172 = arith.addf %add3A_168, %get3A_171 : vector<16xf32>
    %get3A_173 = arith.constant 1552 : index
    %get3A_174 = tpu.vector_load %arg7[%get3A_173] {strides = array<i32>} : memref<3328xf32, #tpu.memory_space<vmem>>, vector<16xf32>,
    %get3A_175 = vector.shape_cast %get3A_174 : vector<16xf32> to vector<16xf32>
    %add3A_176 = arith.addf %add3A_172, %get3A_175 : vector<16xf32>
    %get3A_177 = arith.constant 32 : index
    %get3A_178 = tpu.vector_load %arg7[%get3A_177] {strides = array<i32>} : memref<3328xf32, #tpu.memory_space<vmem>>, vector<16xf32>,
    %get3A_179 = vector.shape_cast %get3A_178 : vector<16xf32> to vector<16xf32>
    %add3A_180 = arith.addf %get3A_62, %get3A_179 : vector<16xf32>
    %get3A_181 = arith.constant 160 : index
    %get3A_182 = tpu.vector_load %arg7[%get3A_181] {strides = array<i32>} : memref<3328xf32, #tpu.memory_space<vmem>>, vector<16xf32>,
    %get3A_183 = vector.shape_cast %get3A_182 : vector<16xf32> to vector<16xf32>
    %add3A_184 = arith.addf %add3A_180, %get3A_183 : vector<16xf32>
    %get3A_185 = arith.constant 288 : index
    %get3A_186 = tpu.vector_load %arg7[%get3A_185] {strides = array<i32>} : memref<3328xf32, #tpu.memory_space<vmem>>, vector<16xf32>,
    %get3A_187 = vector.shape_cast %get3A_186 : vector<16xf32> to vector<16xf32>
    %add3A_188 = arith.addf %add3A_184, %get3A_187 : vector<16xf32>
    %get3A_189 = arith.constant 416 : index
    %get3A_190 = tpu.vector_load %arg7[%get3A_189] {strides = array<i32>} : memref<3328xf32, #tpu.memory_space<vmem>>, vector<16xf32>,
    %get3A_191 = vector.shape_cast %get3A_190 : vector<16xf32> to vector<16xf32>
    %add3A_192 = arith.addf %add3A_188, %get3A_191 : vector<16xf32>
    %get3A_193 = arith.constant 544 : index
    %get3A_194 = tpu.vector_load %arg7[%get3A_193] {strides = array<i32>} : memref<3328xf32, #tpu.memory_space<vmem>>, vector<16xf32>,
    %get3A_195 = vector.shape_cast %get3A_194 : vector<16xf32> to vector<16xf32>
    %add3A_196 = arith.addf %add3A_192, %get3A_195 : vector<16xf32>
    %get3A_197 = arith.constant 672 : index
    %get3A_198 = tpu.vector_load %arg7[%get3A_197] {strides = array<i32>} : memref<3328xf32, #tpu.memory_space<vmem>>, vector<16xf32>,
    %get3A_199 = vector.shape_cast %get3A_198 : vector<16xf32> to vector<16xf32>
    %add3A_200 = arith.addf %add3A_196, %get3A_199 : vector<16xf32>
    %get3A_201 = arith.constant 800 : index
    %get3A_202 = tpu.vector_load %arg7[%get3A_201] {strides = array<i32>} : memref<3328xf32, #tpu.memory_space<vmem>>, vector<16xf32>,
    %get3A_203 = vector.shape_cast %get3A_202 : vector<16xf32> to vector<16xf32>
    %add3A_204 = arith.addf %add3A_200, %get3A_203 : vector<16xf32>
    %get3A_205 = arith.constant 928 : index
    %get3A_206 = tpu.vector_load %arg7[%get3A_205] {strides = array<i32>} : memref<3328xf32, #tpu.memory_space<vmem>>, vector<16xf32>,
    %get3A_207 = vector.shape_cast %get3A_206 : vector<16xf32> to vector<16xf32>
    %add3A_208 = arith.addf %add3A_204, %get3A_207 : vector<16xf32>
    %get3A_209 = arith.constant 1056 : index
    %get3A_210 = tpu.vector_load %arg7[%get3A_209] {strides = array<i32>} : memref<3328xf32, #tpu.memory_space<vmem>>, vector<16xf32>,
    %get3A_211 = vector.shape_cast %get3A_210 : vector<16xf32> to vector<16xf32>
    %add3A_212 = arith.addf %add3A_208, %get3A_211 : vector<16xf32>
    %get3A_213 = arith.constant 1184 : index
    %get3A_214 = tpu.vector_load %arg7[%get3A_213] {strides = array<i32>} : memref<3328xf32, #tpu.memory_space<vmem>>, vector<16xf32>,
    %get3A_215 = vector.shape_cast %get3A_214 : vector<16xf32> to vector<16xf32>
    %add3A_216 = arith.addf %add3A_212, %get3A_215 : vector<16xf32>
    %get3A_217 = arith.constant 1312 : index
    %get3A_218 = tpu.vector_load %arg7[%get3A_217] {strides = array<i32>} : memref<3328xf32, #tpu.memory_space<vmem>>, vector<16xf32>,
    %get3A_219 = vector.shape_cast %get3A_218 : vector<16xf32> to vector<16xf32>
    %add3A_220 = arith.addf %add3A_216, %get3A_219 : vector<16xf32>
    %get3A_221 = arith.constant 1440 : index
    %get3A_222 = tpu.vector_load %arg7[%get3A_221] {strides = array<i32>} : memref<3328xf32, #tpu.memory_space<vmem>>, vector<16xf32>,
    %get3A_223 = vector.shape_cast %get3A_222 : vector<16xf32> to vector<16xf32>
    %add3A_224 = arith.addf %add3A_220, %get3A_223 : vector<16xf32>
    %get3A_225 = arith.constant 1568 : index
    %get3A_226 = tpu.vector_load %arg7[%get3A_225] {strides = array<i32>} : memref<3328xf32, #tpu.memory_space<vmem>>, vector<16xf32>,
    %get3A_227 = vector.shape_cast %get3A_226 : vector<16xf32> to vector<16xf32>
    %add3A_228 = arith.addf %add3A_224, %get3A_227 : vector<16xf32>
    %get3A_229 = arith.constant 48 : index
    %get3A_230 = tpu.vector_load %arg7[%get3A_229] {strides = array<i32>} : memref<3328xf32, #tpu.memory_space<vmem>>, vector<16xf32>,
    %get3A_231 = vector.shape_cast %get3A_230 : vector<16xf32> to vector<16xf32>
    %add3A_232 = arith.addf %get3A_62, %get3A_231 : vector<16xf32>
    %get3A_233 = arith.constant 176 : index
    %get3A_234 = tpu.vector_load %arg7[%get3A_233] {strides = array<i32>} : memref<3328xf32, #tpu.memory_space<vmem>>, vector<16xf32>,
    %get3A_235 = vector.shape_cast %get3A_234 : vector<16xf32> to vector<16xf32>
    %add3A_236 = arith.addf %add3A_232, %get3A_235 : vector<16xf32>
    %get3A_237 = arith.constant 304 : index
    %get3A_238 = tpu.vector_load %arg7[%get3A_237] {strides = array<i32>} : memref<3328xf32, #tpu.memory_space<vmem>>, vector<16xf32>,
    %get3A_239 = vector.shape_cast %get3A_238 : vector<16xf32> to vector<16xf32>
    %add3A_240 = arith.addf %add3A_236, %get3A_239 : vector<16xf32>
    %get3A_241 = arith.constant 432 : index
    %get3A_242 = tpu.vector_load %arg7[%get3A_241] {strides = array<i32>} : memref<3328xf32, #tpu.memory_space<vmem>>, vector<16xf32>,
    %get3A_243 = vector.shape_cast %get3A_242 : vector<16xf32> to vector<16xf32>
    %add3A_244 = arith.addf %add3A_240, %get3A_243 : vector<16xf32>
    %get3A_245 = arith.constant 560 : index
    %get3A_246 = tpu.vector_load %arg7[%get3A_245] {strides = array<i32>} : memref<3328xf32, #tpu.memory_space<vmem>>, vector<16xf32>,
    %get3A_247 = vector.shape_cast %get3A_246 : vector<16xf32> to vector<16xf32>
    %add3A_248 = arith.addf %add3A_244, %get3A_247 : vector<16xf32>
    %get3A_249 = arith.constant 688 : index
    %get3A_250 = tpu.vector_load %arg7[%get3A_249] {strides = array<i32>} : memref<3328xf32, #tpu.memory_space<vmem>>, vector<16xf32>,
    %get3A_251 = vector.shape_cast %get3A_250 : vector<16xf32> to vector<16xf32>
    %add3A_252 = arith.addf %add3A_248, %get3A_251 : vector<16xf32>
    %get3A_253 = arith.constant 816 : index
    %get3A_254 = tpu.vector_load %arg7[%get3A_253] {strides = array<i32>} : memref<3328xf32, #tpu.memory_space<vmem>>, vector<16xf32>,
    %get3A_255 = vector.shape_cast %get3A_254 : vector<16xf32> to vector<16xf32>
    %add3A_256 = arith.addf %add3A_252, %get3A_255 : vector<16xf32>
    %get3A_257 = arith.constant 944 : index
    %get3A_258 = tpu.vector_load %arg7[%get3A_257] {strides = array<i32>} : memref<3328xf32, #tpu.memory_space<vmem>>, vector<16xf32>,
    %get3A_259 = vector.shape_cast %get3A_258 : vector<16xf32> to vector<16xf32>
    %add3A_260 = arith.addf %add3A_256, %get3A_259 : vector<16xf32>
    %get3A_261 = arith.constant 1072 : index
    %get3A_262 = tpu.vector_load %arg7[%get3A_261] {strides = array<i32>} : memref<3328xf32, #tpu.memory_space<vmem>>, vector<16xf32>,
    %get3A_263 = vector.shape_cast %get3A_262 : vector<16xf32> to vector<16xf32>
    %add3A_264 = arith.addf %add3A_260, %get3A_263 : vector<16xf32>
    %get3A_265 = arith.constant 1200 : index
    %get3A_266 = tpu.vector_load %arg7[%get3A_265] {strides = array<i32>} : memref<3328xf32, #tpu.memory_space<vmem>>, vector<16xf32>,
    %get3A_267 = vector.shape_cast %get3A_266 : vector<16xf32> to vector<16xf32>
    %add3A_268 = arith.addf %add3A_264, %get3A_267 : vector<16xf32>
    %get3A_269 = arith.constant 1328 : index
    %get3A_270 = tpu.vector_load %arg7[%get3A_269] {strides = array<i32>} : memref<3328xf32, #tpu.memory_space<vmem>>, vector<16xf32>,
    %get3A_271 = vector.shape_cast %get3A_270 : vector<16xf32> to vector<16xf32>
    %add3A_272 = arith.addf %add3A_268, %get3A_271 : vector<16xf32>
    %get3A_273 = arith.constant 1456 : index
    %get3A_274 = tpu.vector_load %arg7[%get3A_273] {strides = array<i32>} : memref<3328xf32, #tpu.memory_space<vmem>>, vector<16xf32>,
    %get3A_275 = vector.shape_cast %get3A_274 : vector<16xf32> to vector<16xf32>
    %add3A_276 = arith.addf %add3A_272, %get3A_275 : vector<16xf32>
    %get3A_277 = arith.constant 1584 : index
    %get3A_278 = tpu.vector_load %arg7[%get3A_277] {strides = array<i32>} : memref<3328xf32, #tpu.memory_space<vmem>>, vector<16xf32>,
    %get3A_279 = vector.shape_cast %get3A_278 : vector<16xf32> to vector<16xf32>
    %add3A_280 = arith.addf %add3A_276, %get3A_279 : vector<16xf32>
    %get3A_281 = arith.constant 64 : index
    %get3A_282 = tpu.vector_load %arg7[%get3A_281] {strides = array<i32>} : memref<3328xf32, #tpu.memory_space<vmem>>, vector<16xf32>,
    %get3A_283 = vector.shape_cast %get3A_282 : vector<16xf32> to vector<16xf32>
    %add3A_284 = arith.addf %get3A_62, %get3A_283 : vector<16xf32>
    %get3A_285 = arith.constant 192 : index
    %get3A_286 = tpu.vector_load %arg7[%get3A_285] {strides = array<i32>} : memref<3328xf32, #tpu.memory_space<vmem>>, vector<16xf32>,
    %get3A_287 = vector.shape_cast %get3A_286 : vector<16xf32> to vector<16xf32>
    %add3A_288 = arith.addf %add3A_284, %get3A_287 : vector<16xf32>
    %get3A_289 = arith.constant 320 : index
    %get3A_290 = tpu.vector_load %arg7[%get3A_289] {strides = array<i32>} : memref<3328xf32, #tpu.memory_space<vmem>>, vector<16xf32>,
    %get3A_291 = vector.shape_cast %get3A_290 : vector<16xf32> to vector<16xf32>
    %add3A_292 = arith.addf %add3A_288, %get3A_291 : vector<16xf32>
    %get3A_293 = arith.constant 448 : index
    %get3A_294 = tpu.vector_load %arg7[%get3A_293] {strides = array<i32>} : memref<3328xf32, #tpu.memory_space<vmem>>, vector<16xf32>,
    %get3A_295 = vector.shape_cast %get3A_294 : vector<16xf32> to vector<16xf32>
    %add3A_296 = arith.addf %add3A_292, %get3A_295 : vector<16xf32>
    %get3A_297 = arith.constant 576 : index
    %get3A_298 = tpu.vector_load %arg7[%get3A_297] {strides = array<i32>} : memref<3328xf32, #tpu.memory_space<vmem>>, vector<16xf32>,
    %get3A_299 = vector.shape_cast %get3A_298 : vector<16xf32> to vector<16xf32>
    %add3A_300 = arith.addf %add3A_296, %get3A_299 : vector<16xf32>
    %get3A_301 = arith.constant 704 : index
    %get3A_302 = tpu.vector_load %arg7[%get3A_301] {strides = array<i32>} : memref<3328xf32, #tpu.memory_space<vmem>>, vector<16xf32>,
    %get3A_303 = vector.shape_cast %get3A_302 : vector<16xf32> to vector<16xf32>
    %add3A_304 = arith.addf %add3A_300, %get3A_303 : vector<16xf32>
    %get3A_305 = arith.constant 832 : index
    %get3A_306 = tpu.vector_load %arg7[%get3A_305] {strides = array<i32>} : memref<3328xf32, #tpu.memory_space<vmem>>, vector<16xf32>,
    %get3A_307 = vector.shape_cast %get3A_306 : vector<16xf32> to vector<16xf32>
    %add3A_308 = arith.addf %add3A_304, %get3A_307 : vector<16xf32>
    %get3A_309 = arith.constant 960 : index
    %get3A_310 = tpu.vector_load %arg7[%get3A_309] {strides = array<i32>} : memref<3328xf32, #tpu.memory_space<vmem>>, vector<16xf32>,
    %get3A_311 = vector.shape_cast %get3A_310 : vector<16xf32> to vector<16xf32>
    %add3A_312 = arith.addf %add3A_308, %get3A_311 : vector<16xf32>
    %get3A_313 = arith.constant 1088 : index
    %get3A_314 = tpu.vector_load %arg7[%get3A_313] {strides = array<i32>} : memref<3328xf32, #tpu.memory_space<vmem>>, vector<16xf32>,
    %get3A_315 = vector.shape_cast %get3A_314 : vector<16xf32> to vector<16xf32>
    %add3A_316 = arith.addf %add3A_312, %get3A_315 : vector<16xf32>
    %get3A_317 = arith.constant 1216 : index
    %get3A_318 = tpu.vector_load %arg7[%get3A_317] {strides = array<i32>} : memref<3328xf32, #tpu.memory_space<vmem>>, vector<16xf32>,
    %get3A_319 = vector.shape_cast %get3A_318 : vector<16xf32> to vector<16xf32>
    %add3A_320 = arith.addf %add3A_316, %get3A_319 : vector<16xf32>
    %get3A_321 = arith.constant 1344 : index
    %get3A_322 = tpu.vector_load %arg7[%get3A_321] {strides = array<i32>} : memref<3328xf32, #tpu.memory_space<vmem>>, vector<16xf32>,
    %get3A_323 = vector.shape_cast %get3A_322 : vector<16xf32> to vector<16xf32>
    %add3A_324 = arith.addf %add3A_320, %get3A_323 : vector<16xf32>
    %get3A_325 = arith.constant 1472 : index
    %get3A_326 = tpu.vector_load %arg7[%get3A_325] {strides = array<i32>} : memref<3328xf32, #tpu.memory_space<vmem>>, vector<16xf32>,
    %get3A_327 = vector.shape_cast %get3A_326 : vector<16xf32> to vector<16xf32>
    %add3A_328 = arith.addf %add3A_324, %get3A_327 : vector<16xf32>
    %get3A_329 = arith.constant 1600 : index
    %get3A_330 = tpu.vector_load %arg7[%get3A_329] {strides = array<i32>} : memref<3328xf32, #tpu.memory_space<vmem>>, vector<16xf32>,
    %get3A_331 = vector.shape_cast %get3A_330 : vector<16xf32> to vector<16xf32>
    %add3A_332 = arith.addf %add3A_328, %get3A_331 : vector<16xf32>
    %get3A_333 = arith.constant 80 : index
    %get3A_334 = tpu.vector_load %arg7[%get3A_333] {strides = array<i32>} : memref<3328xf32, #tpu.memory_space<vmem>>, vector<16xf32>,
    %get3A_335 = vector.shape_cast %get3A_334 : vector<16xf32> to vector<16xf32>
    %add3A_336 = arith.addf %get3A_62, %get3A_335 : vector<16xf32>
    %get3A_337 = arith.constant 208 : index
    %get3A_338 = tpu.vector_load %arg7[%get3A_337] {strides = array<i32>} : memref<3328xf32, #tpu.memory_space<vmem>>, vector<16xf32>,
    %get3A_339 = vector.shape_cast %get3A_338 : vector<16xf32> to vector<16xf32>
    %add3A_340 = arith.addf %add3A_336, %get3A_339 : vector<16xf32>
    %get3A_341 = arith.constant 336 : index
    %get3A_342 = tpu.vector_load %arg7[%get3A_341] {strides = array<i32>} : memref<3328xf32, #tpu.memory_space<vmem>>, vector<16xf32>,
    %get3A_343 = vector.shape_cast %get3A_342 : vector<16xf32> to vector<16xf32>
    %add3A_344 = arith.addf %add3A_340, %get3A_343 : vector<16xf32>
    %get3A_345 = arith.constant 464 : index
    %get3A_346 = tpu.vector_load %arg7[%get3A_345] {strides = array<i32>} : memref<3328xf32, #tpu.memory_space<vmem>>, vector<16xf32>,
    %get3A_347 = vector.shape_cast %get3A_346 : vector<16xf32> to vector<16xf32>
    %add3A_348 = arith.addf %add3A_344, %get3A_347 : vector<16xf32>
    %get3A_349 = arith.constant 592 : index
    %get3A_350 = tpu.vector_load %arg7[%get3A_349] {strides = array<i32>} : memref<3328xf32, #tpu.memory_space<vmem>>, vector<16xf32>,
    %get3A_351 = vector.shape_cast %get3A_350 : vector<16xf32> to vector<16xf32>
    %add3A_352 = arith.addf %add3A_348, %get3A_351 : vector<16xf32>
    %get3A_353 = arith.constant 720 : index
    %get3A_354 = tpu.vector_load %arg7[%get3A_353] {strides = array<i32>} : memref<3328xf32, #tpu.memory_space<vmem>>, vector<16xf32>,
    %get3A_355 = vector.shape_cast %get3A_354 : vector<16xf32> to vector<16xf32>
    %add3A_356 = arith.addf %add3A_352, %get3A_355 : vector<16xf32>
    %get3A_357 = arith.constant 848 : index
    %get3A_358 = tpu.vector_load %arg7[%get3A_357] {strides = array<i32>} : memref<3328xf32, #tpu.memory_space<vmem>>, vector<16xf32>,
    %get3A_359 = vector.shape_cast %get3A_358 : vector<16xf32> to vector<16xf32>
    %add3A_360 = arith.addf %add3A_356, %get3A_359 : vector<16xf32>
    %get3A_361 = arith.constant 976 : index
    %get3A_362 = tpu.vector_load %arg7[%get3A_361] {strides = array<i32>} : memref<3328xf32, #tpu.memory_space<vmem>>, vector<16xf32>,
    %get3A_363 = vector.shape_cast %get3A_362 : vector<16xf32> to vector<16xf32>
    %add3A_364 = arith.addf %add3A_360, %get3A_363 : vector<16xf32>
    %get3A_365 = arith.constant 1104 : index
    %get3A_366 = tpu.vector_load %arg7[%get3A_365] {strides = array<i32>} : memref<3328xf32, #tpu.memory_space<vmem>>, vector<16xf32>,
    %get3A_367 = vector.shape_cast %get3A_366 : vector<16xf32> to vector<16xf32>
    %add3A_368 = arith.addf %add3A_364, %get3A_367 : vector<16xf32>
    %get3A_369 = arith.constant 1232 : index
    %get3A_370 = tpu.vector_load %arg7[%get3A_369] {strides = array<i32>} : memref<3328xf32, #tpu.memory_space<vmem>>, vector<16xf32>,
    %get3A_371 = vector.shape_cast %get3A_370 : vector<16xf32> to vector<16xf32>
    %add3A_372 = arith.addf %add3A_368, %get3A_371 : vector<16xf32>
    %get3A_373 = arith.constant 1360 : index
    %get3A_374 = tpu.vector_load %arg7[%get3A_373] {strides = array<i32>} : memref<3328xf32, #tpu.memory_space<vmem>>, vector<16xf32>,
    %get3A_375 = vector.shape_cast %get3A_374 : vector<16xf32> to vector<16xf32>
    %add3A_376 = arith.addf %add3A_372, %get3A_375 : vector<16xf32>
    %get3A_377 = arith.constant 1488 : index
    %get3A_378 = tpu.vector_load %arg7[%get3A_377] {strides = array<i32>} : memref<3328xf32, #tpu.memory_space<vmem>>, vector<16xf32>,
    %get3A_379 = vector.shape_cast %get3A_378 : vector<16xf32> to vector<16xf32>
    %add3A_380 = arith.addf %add3A_376, %get3A_379 : vector<16xf32>
    %get3A_381 = arith.constant 1616 : index
    %get3A_382 = tpu.vector_load %arg7[%get3A_381] {strides = array<i32>} : memref<3328xf32, #tpu.memory_space<vmem>>, vector<16xf32>,
    %get3A_383 = vector.shape_cast %get3A_382 : vector<16xf32> to vector<16xf32>
    %add3A_384 = arith.addf %add3A_380, %get3A_383 : vector<16xf32>
    %get3A_385 = arith.constant 96 : index
    %get3A_386 = tpu.vector_load %arg7[%get3A_385] {strides = array<i32>} : memref<3328xf32, #tpu.memory_space<vmem>>, vector<16xf32>,
    %get3A_387 = vector.shape_cast %get3A_386 : vector<16xf32> to vector<16xf32>
    %add3A_388 = arith.addf %get3A_62, %get3A_387 : vector<16xf32>
    %get3A_389 = arith.constant 224 : index
    %get3A_390 = tpu.vector_load %arg7[%get3A_389] {strides = array<i32>} : memref<3328xf32, #tpu.memory_space<vmem>>, vector<16xf32>,
    %get3A_391 = vector.shape_cast %get3A_390 : vector<16xf32> to vector<16xf32>
    %add3A_392 = arith.addf %add3A_388, %get3A_391 : vector<16xf32>
    %get3A_393 = arith.constant 352 : index
    %get3A_394 = tpu.vector_load %arg7[%get3A_393] {strides = array<i32>} : memref<3328xf32, #tpu.memory_space<vmem>>, vector<16xf32>,
    %get3A_395 = vector.shape_cast %get3A_394 : vector<16xf32> to vector<16xf32>
    %add3A_396 = arith.addf %add3A_392, %get3A_395 : vector<16xf32>
    %get3A_397 = arith.constant 480 : index
    %get3A_398 = tpu.vector_load %arg7[%get3A_397] {strides = array<i32>} : memref<3328xf32, #tpu.memory_space<vmem>>, vector<16xf32>,
    %get3A_399 = vector.shape_cast %get3A_398 : vector<16xf32> to vector<16xf32>
    %add3A_400 = arith.addf %add3A_396, %get3A_399 : vector<16xf32>
    %get3A_401 = arith.constant 608 : index
    %get3A_402 = tpu.vector_load %arg7[%get3A_401] {strides = array<i32>} : memref<3328xf32, #tpu.memory_space<vmem>>, vector<16xf32>,
    %get3A_403 = vector.shape_cast %get3A_402 : vector<16xf32> to vector<16xf32>
    %add3A_404 = arith.addf %add3A_400, %get3A_403 : vector<16xf32>
    %get3A_405 = arith.constant 736 : index
    %get3A_406 = tpu.vector_load %arg7[%get3A_405] {strides = array<i32>} : memref<3328xf32, #tpu.memory_space<vmem>>, vector<16xf32>,
    %get3A_407 = vector.shape_cast %get3A_406 : vector<16xf32> to vector<16xf32>
    %add3A_408 = arith.addf %add3A_404, %get3A_407 : vector<16xf32>
    %get3A_409 = arith.constant 864 : index
    %get3A_410 = tpu.vector_load %arg7[%get3A_409] {strides = array<i32>} : memref<3328xf32, #tpu.memory_space<vmem>>, vector<16xf32>,
    %get3A_411 = vector.shape_cast %get3A_410 : vector<16xf32> to vector<16xf32>
    %add3A_412 = arith.addf %add3A_408, %get3A_411 : vector<16xf32>
    %get3A_413 = arith.constant 992 : index
    %get3A_414 = tpu.vector_load %arg7[%get3A_413] {strides = array<i32>} : memref<3328xf32, #tpu.memory_space<vmem>>, vector<16xf32>,
    %get3A_415 = vector.shape_cast %get3A_414 : vector<16xf32> to vector<16xf32>
    %add3A_416 = arith.addf %add3A_412, %get3A_415 : vector<16xf32>
    %get3A_417 = arith.constant 1120 : index
    %get3A_418 = tpu.vector_load %arg7[%get3A_417] {strides = array<i32>} : memref<3328xf32, #tpu.memory_space<vmem>>, vector<16xf32>,
    %get3A_419 = vector.shape_cast %get3A_418 : vector<16xf32> to vector<16xf32>
    %add3A_420 = arith.addf %add3A_416, %get3A_419 : vector<16xf32>
    %get3A_421 = arith.constant 1248 : index
    %get3A_422 = tpu.vector_load %arg7[%get3A_421] {strides = array<i32>} : memref<3328xf32, #tpu.memory_space<vmem>>, vector<16xf32>,
    %get3A_423 = vector.shape_cast %get3A_422 : vector<16xf32> to vector<16xf32>
    %add3A_424 = arith.addf %add3A_420, %get3A_423 : vector<16xf32>
    %get3A_425 = arith.constant 1376 : index
    %get3A_426 = tpu.vector_load %arg7[%get3A_425] {strides = array<i32>} : memref<3328xf32, #tpu.memory_space<vmem>>, vector<16xf32>,
    %get3A_427 = vector.shape_cast %get3A_426 : vector<16xf32> to vector<16xf32>
    %add3A_428 = arith.addf %add3A_424, %get3A_427 : vector<16xf32>
    %get3A_429 = arith.constant 1504 : index
    %get3A_430 = tpu.vector_load %arg7[%get3A_429] {strides = array<i32>} : memref<3328xf32, #tpu.memory_space<vmem>>, vector<16xf32>,
    %get3A_431 = vector.shape_cast %get3A_430 : vector<16xf32> to vector<16xf32>
    %add3A_432 = arith.addf %add3A_428, %get3A_431 : vector<16xf32>
    %get3A_433 = arith.constant 1632 : index
    %get3A_434 = tpu.vector_load %arg7[%get3A_433] {strides = array<i32>} : memref<3328xf32, #tpu.memory_space<vmem>>, vector<16xf32>,
    %get3A_435 = vector.shape_cast %get3A_434 : vector<16xf32> to vector<16xf32>
    %add3A_436 = arith.addf %add3A_432, %get3A_435 : vector<16xf32>
    %get3A_437 = arith.constant 112 : index
    %get3A_438 = tpu.vector_load %arg7[%get3A_437] {strides = array<i32>} : memref<3328xf32, #tpu.memory_space<vmem>>, vector<16xf32>,
    %get3A_439 = vector.shape_cast %get3A_438 : vector<16xf32> to vector<16xf32>
    %add3A_440 = arith.addf %get3A_62, %get3A_439 : vector<16xf32>
    %get3A_441 = arith.constant 240 : index
    %get3A_442 = tpu.vector_load %arg7[%get3A_441] {strides = array<i32>} : memref<3328xf32, #tpu.memory_space<vmem>>, vector<16xf32>,
    %get3A_443 = vector.shape_cast %get3A_442 : vector<16xf32> to vector<16xf32>
    %add3A_444 = arith.addf %add3A_440, %get3A_443 : vector<16xf32>
    %get3A_445 = arith.constant 368 : index
    %get3A_446 = tpu.vector_load %arg7[%get3A_445] {strides = array<i32>} : memref<3328xf32, #tpu.memory_space<vmem>>, vector<16xf32>,
    %get3A_447 = vector.shape_cast %get3A_446 : vector<16xf32> to vector<16xf32>
    %add3A_448 = arith.addf %add3A_444, %get3A_447 : vector<16xf32>
    %get3A_449 = arith.constant 496 : index
    %get3A_450 = tpu.vector_load %arg7[%get3A_449] {strides = array<i32>} : memref<3328xf32, #tpu.memory_space<vmem>>, vector<16xf32>,
    %get3A_451 = vector.shape_cast %get3A_450 : vector<16xf32> to vector<16xf32>
    %add3A_452 = arith.addf %add3A_448, %get3A_451 : vector<16xf32>
    %get3A_453 = arith.constant 624 : index
    %get3A_454 = tpu.vector_load %arg7[%get3A_453] {strides = array<i32>} : memref<3328xf32, #tpu.memory_space<vmem>>, vector<16xf32>,
    %get3A_455 = vector.shape_cast %get3A_454 : vector<16xf32> to vector<16xf32>
    %add3A_456 = arith.addf %add3A_452, %get3A_455 : vector<16xf32>
    %get3A_457 = arith.constant 752 : index
    %get3A_458 = tpu.vector_load %arg7[%get3A_457] {strides = array<i32>} : memref<3328xf32, #tpu.memory_space<vmem>>, vector<16xf32>,
    %get3A_459 = vector.shape_cast %get3A_458 : vector<16xf32> to vector<16xf32>
    %add3A_460 = arith.addf %add3A_456, %get3A_459 : vector<16xf32>
    %get3A_461 = arith.constant 880 : index
    %get3A_462 = tpu.vector_load %arg7[%get3A_461] {strides = array<i32>} : memref<3328xf32, #tpu.memory_space<vmem>>, vector<16xf32>,
    %get3A_463 = vector.shape_cast %get3A_462 : vector<16xf32> to vector<16xf32>
    %add3A_464 = arith.addf %add3A_460, %get3A_463 : vector<16xf32>
    %get3A_465 = arith.constant 1008 : index
    %get3A_466 = tpu.vector_load %arg7[%get3A_465] {strides = array<i32>} : memref<3328xf32, #tpu.memory_space<vmem>>, vector<16xf32>,
    %get3A_467 = vector.shape_cast %get3A_466 : vector<16xf32> to vector<16xf32>
    %add3A_468 = arith.addf %add3A_464, %get3A_467 : vector<16xf32>
    %get3A_469 = arith.constant 1136 : index
    %get3A_470 = tpu.vector_load %arg7[%get3A_469] {strides = array<i32>} : memref<3328xf32, #tpu.memory_space<vmem>>, vector<16xf32>,
    %get3A_471 = vector.shape_cast %get3A_470 : vector<16xf32> to vector<16xf32>
    %add3A_472 = arith.addf %add3A_468, %get3A_471 : vector<16xf32>
    %get3A_473 = arith.constant 1264 : index
    %get3A_474 = tpu.vector_load %arg7[%get3A_473] {strides = array<i32>} : memref<3328xf32, #tpu.memory_space<vmem>>, vector<16xf32>,
    %get3A_475 = vector.shape_cast %get3A_474 : vector<16xf32> to vector<16xf32>
    %add3A_476 = arith.addf %add3A_472, %get3A_475 : vector<16xf32>
    %get3A_477 = arith.constant 1392 : index
    %get3A_478 = tpu.vector_load %arg7[%get3A_477] {strides = array<i32>} : memref<3328xf32, #tpu.memory_space<vmem>>, vector<16xf32>,
    %get3A_479 = vector.shape_cast %get3A_478 : vector<16xf32> to vector<16xf32>
    %add3A_480 = arith.addf %add3A_476, %get3A_479 : vector<16xf32>
    %get3A_481 = arith.constant 1520 : index
    %get3A_482 = tpu.vector_load %arg7[%get3A_481] {strides = array<i32>} : memref<3328xf32, #tpu.memory_space<vmem>>, vector<16xf32>,
    %get3A_483 = vector.shape_cast %get3A_482 : vector<16xf32> to vector<16xf32>
    %add3A_484 = arith.addf %add3A_480, %get3A_483 : vector<16xf32>
    %get3A_485 = arith.constant 1648 : index
    %get3A_486 = tpu.vector_load %arg7[%get3A_485] {strides = array<i32>} : memref<3328xf32, #tpu.memory_space<vmem>>, vector<16xf32>,
    %get3A_487 = vector.shape_cast %get3A_486 : vector<16xf32> to vector<16xf32>
    %add3A_488 = arith.addf %add3A_484, %get3A_487 : vector<16xf32>
    %dma_wait3A_489 = arith.constant 0 : i32
    %dma_wait3A_490 = arith.constant 1664 : i32
    %dma_wait3A_491 = tpu.memref_slice %arg7[%dma_wait3A_490] : memref<3328xf32, #tpu.memory_space<vmem>> -> memref<1664xf32, #tpu.memory_space<vmem>>
    %dma_wait3A_492 = arith.constant 1664 : i32
    %dma_wait3A_493 = tpu.memref_slice %arg6[%dma_wait3A_492] : memref<3328xi32, #tpu.memory_space<vmem>> -> memref<1664xi32, #tpu.memory_space<vmem>>
    %dma_wait3A_494 = arith.constant 0 : i32
    %dma_wait3A_495 = tpu.memref_slice %arg3[%dma_wait3A_489, %dma_wait3A_494] : memref<1x1000000xf32, #tpu.memory_space<hbm>> -> memref<1x1000000xf32, #tpu.memory_space<hbm>>
    %dma_wait3A_496 = tpu.memref_squeeze %dma_wait3A_495 : memref<1x1000000xf32, #tpu.memory_space<hbm>> -> memref<1000000xf32, #tpu.memory_space<hbm>>
    %dma_wait3A_497 = arith.constant 0 : i32
    %dma_wait3A_498 = tpu.memref_slice %dma_wait3A_496[%dma_wait3A_497] : memref<1000000xf32, #tpu.memory_space<hbm>> -> memref<1000000xf32, #tpu.memory_space<hbm>>
    tpu.wait_indirect_dma semaphore(%arg11 : memref<!tpu.dma_semaphore, #tpu.memory_space<semaphore_mem>>) src(%dma_wait3A_498 : memref<1000000xf32, #tpu.memory_space<hbm>>) dst(%dma_wait3A_491 : memref<1664xf32, #tpu.memory_space<vmem>>)
    %get3A_499 = arith.constant 1664 : index
    %get3A_500 = tpu.vector_load %arg7[%get3A_499] {strides = array<i32>} : memref<3328xf32, #tpu.memory_space<vmem>>, vector<16xf32>,
    %get3A_501 = vector.shape_cast %get3A_500 : vector<16xf32> to vector<16xf32>
    %add3A_502 = arith.addf %add3A_124, %get3A_501 : vector<16xf32>
    %get3A_503 = arith.constant 1792 : index
    %get3A_504 = tpu.vector_load %arg7[%get3A_503] {strides = array<i32>} : memref<3328xf32, #tpu.memory_space<vmem>>, vector<16xf32>,
    %get3A_505 = vector.shape_cast %get3A_504 : vector<16xf32> to vector<16xf32>
    %add3A_506 = arith.addf %add3A_502, %get3A_505 : vector<16xf32>
    %get3A_507 = arith.constant 1920 : index
    %get3A_508 = tpu.vector_load %arg7[%get3A_507] {strides = array<i32>} : memref<3328xf32, #tpu.memory_space<vmem>>, vector<16xf32>,
    %get3A_509 = vector.shape_cast %get3A_508 : vector<16xf32> to vector<16xf32>
    %add3A_510 = arith.addf %add3A_506, %get3A_509 : vector<16xf32>
    %get3A_511 = arith.constant 2048 : index
    %get3A_512 = tpu.vector_load %arg7[%get3A_511] {strides = array<i32>} : memref<3328xf32, #tpu.memory_space<vmem>>, vector<16xf32>,
    %get3A_513 = vector.shape_cast %get3A_512 : vector<16xf32> to vector<16xf32>
    %add3A_514 = arith.addf %add3A_510, %get3A_513 : vector<16xf32>
    %get3A_515 = arith.constant 2176 : index
    %get3A_516 = tpu.vector_load %arg7[%get3A_515] {strides = array<i32>} : memref<3328xf32, #tpu.memory_space<vmem>>, vector<16xf32>,
    %get3A_517 = vector.shape_cast %get3A_516 : vector<16xf32> to vector<16xf32>
    %add3A_518 = arith.addf %add3A_514, %get3A_517 : vector<16xf32>
    %get3A_519 = arith.constant 2304 : index
    %get3A_520 = tpu.vector_load %arg7[%get3A_519] {strides = array<i32>} : memref<3328xf32, #tpu.memory_space<vmem>>, vector<16xf32>,
    %get3A_521 = vector.shape_cast %get3A_520 : vector<16xf32> to vector<16xf32>
    %add3A_522 = arith.addf %add3A_518, %get3A_521 : vector<16xf32>
    %get3A_523 = arith.constant 2432 : index
    %get3A_524 = tpu.vector_load %arg7[%get3A_523] {strides = array<i32>} : memref<3328xf32, #tpu.memory_space<vmem>>, vector<16xf32>,
    %get3A_525 = vector.shape_cast %get3A_524 : vector<16xf32> to vector<16xf32>
    %add3A_526 = arith.addf %add3A_522, %get3A_525 : vector<16xf32>
    %get3A_527 = arith.constant 2560 : index
    %get3A_528 = tpu.vector_load %arg7[%get3A_527] {strides = array<i32>} : memref<3328xf32, #tpu.memory_space<vmem>>, vector<16xf32>,
    %get3A_529 = vector.shape_cast %get3A_528 : vector<16xf32> to vector<16xf32>
    %add3A_530 = arith.addf %add3A_526, %get3A_529 : vector<16xf32>
    %get3A_531 = arith.constant 2688 : index
    %get3A_532 = tpu.vector_load %arg7[%get3A_531] {strides = array<i32>} : memref<3328xf32, #tpu.memory_space<vmem>>, vector<16xf32>,
    %get3A_533 = vector.shape_cast %get3A_532 : vector<16xf32> to vector<16xf32>
    %add3A_534 = arith.addf %add3A_530, %get3A_533 : vector<16xf32>
    %get3A_535 = arith.constant 2816 : index
    %get3A_536 = tpu.vector_load %arg7[%get3A_535] {strides = array<i32>} : memref<3328xf32, #tpu.memory_space<vmem>>, vector<16xf32>,
    %get3A_537 = vector.shape_cast %get3A_536 : vector<16xf32> to vector<16xf32>
    %add3A_538 = arith.addf %add3A_534, %get3A_537 : vector<16xf32>
    %get3A_539 = arith.constant 2944 : index
    %get3A_540 = tpu.vector_load %arg7[%get3A_539] {strides = array<i32>} : memref<3328xf32, #tpu.memory_space<vmem>>, vector<16xf32>,
    %get3A_541 = vector.shape_cast %get3A_540 : vector<16xf32> to vector<16xf32>
    %add3A_542 = arith.addf %add3A_538, %get3A_541 : vector<16xf32>
    %get3A_543 = arith.constant 3072 : index
    %get3A_544 = tpu.vector_load %arg7[%get3A_543] {strides = array<i32>} : memref<3328xf32, #tpu.memory_space<vmem>>, vector<16xf32>,
    %get3A_545 = vector.shape_cast %get3A_544 : vector<16xf32> to vector<16xf32>
    %add3A_546 = arith.addf %add3A_542, %get3A_545 : vector<16xf32>
    %get3A_547 = arith.constant 3200 : index
    %get3A_548 = tpu.vector_load %arg7[%get3A_547] {strides = array<i32>} : memref<3328xf32, #tpu.memory_space<vmem>>, vector<16xf32>,
    %get3A_549 = vector.shape_cast %get3A_548 : vector<16xf32> to vector<16xf32>
    %add3A_550 = arith.addf %add3A_546, %get3A_549 : vector<16xf32>
    %swap3A = arith.constant 0 : index
    %swap3A_551 = tpu.vector_load %arg8[%swap3A] {strides = array<i32>} : memref<128xf32, #tpu.memory_space<vmem>>, vector<16xf32>,
    %swap3A_552 = vector.shape_cast %swap3A_551 : vector<16xf32> to vector<16xf32>
    %swap3A_553 = vector.shape_cast %add3A_550 : vector<16xf32> to vector<16xf32>
    tpu.vector_store %arg8[%swap3A], %swap3A_553 {strides = array<i32>} : memref<128xf32, #tpu.memory_space<vmem>>, vector<16xf32>,
    %get3A_554 = arith.constant 1680 : index
    %get3A_555 = tpu.vector_load %arg7[%get3A_554] {strides = array<i32>} : memref<3328xf32, #tpu.memory_space<vmem>>, vector<16xf32>,
    %get3A_556 = vector.shape_cast %get3A_555 : vector<16xf32> to vector<16xf32>
    %add3A_557 = arith.addf %add3A_176, %get3A_556 : vector<16xf32>
    %get3A_558 = arith.constant 1808 : index
    %get3A_559 = tpu.vector_load %arg7[%get3A_558] {strides = array<i32>} : memref<3328xf32, #tpu.memory_space<vmem>>, vector<16xf32>,
    %get3A_560 = vector.shape_cast %get3A_559 : vector<16xf32> to vector<16xf32>
    %add3A_561 = arith.addf %add3A_557, %get3A_560 : vector<16xf32>
    %get3A_562 = arith.constant 1936 : index
    %get3A_563 = tpu.vector_load %arg7[%get3A_562] {strides = array<i32>} : memref<3328xf32, #tpu.memory_space<vmem>>, vector<16xf32>,
    %get3A_564 = vector.shape_cast %get3A_563 : vector<16xf32> to vector<16xf32>
    %add3A_565 = arith.addf %add3A_561, %get3A_564 : vector<16xf32>
    %get3A_566 = arith.constant 2064 : index
    %get3A_567 = tpu.vector_load %arg7[%get3A_566] {strides = array<i32>} : memref<3328xf32, #tpu.memory_space<vmem>>, vector<16xf32>,
    %get3A_568 = vector.shape_cast %get3A_567 : vector<16xf32> to vector<16xf32>
    %add3A_569 = arith.addf %add3A_565, %get3A_568 : vector<16xf32>
    %get3A_570 = arith.constant 2192 : index
    %get3A_571 = tpu.vector_load %arg7[%get3A_570] {strides = array<i32>} : memref<3328xf32, #tpu.memory_space<vmem>>, vector<16xf32>,
    %get3A_572 = vector.shape_cast %get3A_571 : vector<16xf32> to vector<16xf32>
    %add3A_573 = arith.addf %add3A_569, %get3A_572 : vector<16xf32>
    %get3A_574 = arith.constant 2320 : index
    %get3A_575 = tpu.vector_load %arg7[%get3A_574] {strides = array<i32>} : memref<3328xf32, #tpu.memory_space<vmem>>, vector<16xf32>,
    %get3A_576 = vector.shape_cast %get3A_575 : vector<16xf32> to vector<16xf32>
    %add3A_577 = arith.addf %add3A_573, %get3A_576 : vector<16xf32>
    %get3A_578 = arith.constant 2448 : index
    %get3A_579 = tpu.vector_load %arg7[%get3A_578] {strides = array<i32>} : memref<3328xf32, #tpu.memory_space<vmem>>, vector<16xf32>,
    %get3A_580 = vector.shape_cast %get3A_579 : vector<16xf32> to vector<16xf32>
    %add3A_581 = arith.addf %add3A_577, %get3A_580 : vector<16xf32>
    %get3A_582 = arith.constant 2576 : index
    %get3A_583 = tpu.vector_load %arg7[%get3A_582] {strides = array<i32>} : memref<3328xf32, #tpu.memory_space<vmem>>, vector<16xf32>,
    %get3A_584 = vector.shape_cast %get3A_583 : vector<16xf32> to vector<16xf32>
    %add3A_585 = arith.addf %add3A_581, %get3A_584 : vector<16xf32>
    %get3A_586 = arith.constant 2704 : index
    %get3A_587 = tpu.vector_load %arg7[%get3A_586] {strides = array<i32>} : memref<3328xf32, #tpu.memory_space<vmem>>, vector<16xf32>,
    %get3A_588 = vector.shape_cast %get3A_587 : vector<16xf32> to vector<16xf32>
    %add3A_589 = arith.addf %add3A_585, %get3A_588 : vector<16xf32>
    %get3A_590 = arith.constant 2832 : index
    %get3A_591 = tpu.vector_load %arg7[%get3A_590] {strides = array<i32>} : memref<3328xf32, #tpu.memory_space<vmem>>, vector<16xf32>,
    %get3A_592 = vector.shape_cast %get3A_591 : vector<16xf32> to vector<16xf32>
    %add3A_593 = arith.addf %add3A_589, %get3A_592 : vector<16xf32>
    %get3A_594 = arith.constant 2960 : index
    %get3A_595 = tpu.vector_load %arg7[%get3A_594] {strides = array<i32>} : memref<3328xf32, #tpu.memory_space<vmem>>, vector<16xf32>,
    %get3A_596 = vector.shape_cast %get3A_595 : vector<16xf32> to vector<16xf32>
    %add3A_597 = arith.addf %add3A_593, %get3A_596 : vector<16xf32>
    %get3A_598 = arith.constant 3088 : index
    %get3A_599 = tpu.vector_load %arg7[%get3A_598] {strides = array<i32>} : memref<3328xf32, #tpu.memory_space<vmem>>, vector<16xf32>,
    %get3A_600 = vector.shape_cast %get3A_599 : vector<16xf32> to vector<16xf32>
    %add3A_601 = arith.addf %add3A_597, %get3A_600 : vector<16xf32>
    %get3A_602 = arith.constant 3216 : index
    %get3A_603 = tpu.vector_load %arg7[%get3A_602] {strides = array<i32>} : memref<3328xf32, #tpu.memory_space<vmem>>, vector<16xf32>,
    %get3A_604 = vector.shape_cast %get3A_603 : vector<16xf32> to vector<16xf32>
    %add3A_605 = arith.addf %add3A_601, %get3A_604 : vector<16xf32>
    %swap3A_606 = arith.constant 16 : index
    %swap3A_607 = tpu.vector_load %arg8[%swap3A_606] {strides = array<i32>} : memref<128xf32, #tpu.memory_space<vmem>>, vector<16xf32>,
    %swap3A_608 = vector.shape_cast %swap3A_607 : vector<16xf32> to vector<16xf32>
    %swap3A_609 = vector.shape_cast %add3A_605 : vector<16xf32> to vector<16xf32>
    tpu.vector_store %arg8[%swap3A_606], %swap3A_609 {strides = array<i32>} : memref<128xf32, #tpu.memory_space<vmem>>, vector<16xf32>,
    %get3A_610 = arith.constant 1696 : index
    %get3A_611 = tpu.vector_load %arg7[%get3A_610] {strides = array<i32>} : memref<3328xf32, #tpu.memory_space<vmem>>, vector<16xf32>,
    %get3A_612 = vector.shape_cast %get3A_611 : vector<16xf32> to vector<16xf32>
    %add3A_613 = arith.addf %add3A_228, %get3A_612 : vector<16xf32>
    %get3A_614 = arith.constant 1824 : index
    %get3A_615 = tpu.vector_load %arg7[%get3A_614] {strides = array<i32>} : memref<3328xf32, #tpu.memory_space<vmem>>, vector<16xf32>,
    %get3A_616 = vector.shape_cast %get3A_615 : vector<16xf32> to vector<16xf32>
    %add3A_617 = arith.addf %add3A_613, %get3A_616 : vector<16xf32>
    %get3A_618 = arith.constant 1952 : index
    %get3A_619 = tpu.vector_load %arg7[%get3A_618] {strides = array<i32>} : memref<3328xf32, #tpu.memory_space<vmem>>, vector<16xf32>,
    %get3A_620 = vector.shape_cast %get3A_619 : vector<16xf32> to vector<16xf32>
    %add3A_621 = arith.addf %add3A_617, %get3A_620 : vector<16xf32>
    %get3A_622 = arith.constant 2080 : index
    %get3A_623 = tpu.vector_load %arg7[%get3A_622] {strides = array<i32>} : memref<3328xf32, #tpu.memory_space<vmem>>, vector<16xf32>,
    %get3A_624 = vector.shape_cast %get3A_623 : vector<16xf32> to vector<16xf32>
    %add3A_625 = arith.addf %add3A_621, %get3A_624 : vector<16xf32>
    %get3A_626 = arith.constant 2208 : index
    %get3A_627 = tpu.vector_load %arg7[%get3A_626] {strides = array<i32>} : memref<3328xf32, #tpu.memory_space<vmem>>, vector<16xf32>,
    %get3A_628 = vector.shape_cast %get3A_627 : vector<16xf32> to vector<16xf32>
    %add3A_629 = arith.addf %add3A_625, %get3A_628 : vector<16xf32>
    %get3A_630 = arith.constant 2336 : index
    %get3A_631 = tpu.vector_load %arg7[%get3A_630] {strides = array<i32>} : memref<3328xf32, #tpu.memory_space<vmem>>, vector<16xf32>,
    %get3A_632 = vector.shape_cast %get3A_631 : vector<16xf32> to vector<16xf32>
    %add3A_633 = arith.addf %add3A_629, %get3A_632 : vector<16xf32>
    %get3A_634 = arith.constant 2464 : index
    %get3A_635 = tpu.vector_load %arg7[%get3A_634] {strides = array<i32>} : memref<3328xf32, #tpu.memory_space<vmem>>, vector<16xf32>,
    %get3A_636 = vector.shape_cast %get3A_635 : vector<16xf32> to vector<16xf32>
    %add3A_637 = arith.addf %add3A_633, %get3A_636 : vector<16xf32>
    %get3A_638 = arith.constant 2592 : index
    %get3A_639 = tpu.vector_load %arg7[%get3A_638] {strides = array<i32>} : memref<3328xf32, #tpu.memory_space<vmem>>, vector<16xf32>,
    %get3A_640 = vector.shape_cast %get3A_639 : vector<16xf32> to vector<16xf32>
    %add3A_641 = arith.addf %add3A_637, %get3A_640 : vector<16xf32>
    %get3A_642 = arith.constant 2720 : index
    %get3A_643 = tpu.vector_load %arg7[%get3A_642] {strides = array<i32>} : memref<3328xf32, #tpu.memory_space<vmem>>, vector<16xf32>,
    %get3A_644 = vector.shape_cast %get3A_643 : vector<16xf32> to vector<16xf32>
    %add3A_645 = arith.addf %add3A_641, %get3A_644 : vector<16xf32>
    %get3A_646 = arith.constant 2848 : index
    %get3A_647 = tpu.vector_load %arg7[%get3A_646] {strides = array<i32>} : memref<3328xf32, #tpu.memory_space<vmem>>, vector<16xf32>,
    %get3A_648 = vector.shape_cast %get3A_647 : vector<16xf32> to vector<16xf32>
    %add3A_649 = arith.addf %add3A_645, %get3A_648 : vector<16xf32>
    %get3A_650 = arith.constant 2976 : index
    %get3A_651 = tpu.vector_load %arg7[%get3A_650] {strides = array<i32>} : memref<3328xf32, #tpu.memory_space<vmem>>, vector<16xf32>,
    %get3A_652 = vector.shape_cast %get3A_651 : vector<16xf32> to vector<16xf32>
    %add3A_653 = arith.addf %add3A_649, %get3A_652 : vector<16xf32>
    %get3A_654 = arith.constant 3104 : index
    %get3A_655 = tpu.vector_load %arg7[%get3A_654] {strides = array<i32>} : memref<3328xf32, #tpu.memory_space<vmem>>, vector<16xf32>,
    %get3A_656 = vector.shape_cast %get3A_655 : vector<16xf32> to vector<16xf32>
    %add3A_657 = arith.addf %add3A_653, %get3A_656 : vector<16xf32>
    %get3A_658 = arith.constant 3232 : index
    %get3A_659 = tpu.vector_load %arg7[%get3A_658] {strides = array<i32>} : memref<3328xf32, #tpu.memory_space<vmem>>, vector<16xf32>,
    %get3A_660 = vector.shape_cast %get3A_659 : vector<16xf32> to vector<16xf32>
    %add3A_661 = arith.addf %add3A_657, %get3A_660 : vector<16xf32>
    %swap3A_662 = arith.constant 32 : index
    %swap3A_663 = tpu.vector_load %arg8[%swap3A_662] {strides = array<i32>} : memref<128xf32, #tpu.memory_space<vmem>>, vector<16xf32>,
    %swap3A_664 = vector.shape_cast %swap3A_663 : vector<16xf32> to vector<16xf32>
    %swap3A_665 = vector.shape_cast %add3A_661 : vector<16xf32> to vector<16xf32>
    tpu.vector_store %arg8[%swap3A_662], %swap3A_665 {strides = array<i32>} : memref<128xf32, #tpu.memory_space<vmem>>, vector<16xf32>,
    %get3A_666 = arith.constant 1712 : index
    %get3A_667 = tpu.vector_load %arg7[%get3A_666] {strides = array<i32>} : memref<3328xf32, #tpu.memory_space<vmem>>, vector<16xf32>,
    %get3A_668 = vector.shape_cast %get3A_667 : vector<16xf32> to vector<16xf32>
    %add3A_669 = arith.addf %add3A_280, %get3A_668 : vector<16xf32>
    %get3A_670 = arith.constant 1840 : index
    %get3A_671 = tpu.vector_load %arg7[%get3A_670] {strides = array<i32>} : memref<3328xf32, #tpu.memory_space<vmem>>, vector<16xf32>,
    %get3A_672 = vector.shape_cast %get3A_671 : vector<16xf32> to vector<16xf32>
    %add3A_673 = arith.addf %add3A_669, %get3A_672 : vector<16xf32>
    %get3A_674 = arith.constant 1968 : index
    %get3A_675 = tpu.vector_load %arg7[%get3A_674] {strides = array<i32>} : memref<3328xf32, #tpu.memory_space<vmem>>, vector<16xf32>,
    %get3A_676 = vector.shape_cast %get3A_675 : vector<16xf32> to vector<16xf32>
    %add3A_677 = arith.addf %add3A_673, %get3A_676 : vector<16xf32>
    %get3A_678 = arith.constant 2096 : index
    %get3A_679 = tpu.vector_load %arg7[%get3A_678] {strides = array<i32>} : memref<3328xf32, #tpu.memory_space<vmem>>, vector<16xf32>,
    %get3A_680 = vector.shape_cast %get3A_679 : vector<16xf32> to vector<16xf32>
    %add3A_681 = arith.addf %add3A_677, %get3A_680 : vector<16xf32>
    %get3A_682 = arith.constant 2224 : index
    %get3A_683 = tpu.vector_load %arg7[%get3A_682] {strides = array<i32>} : memref<3328xf32, #tpu.memory_space<vmem>>, vector<16xf32>,
    %get3A_684 = vector.shape_cast %get3A_683 : vector<16xf32> to vector<16xf32>
    %add3A_685 = arith.addf %add3A_681, %get3A_684 : vector<16xf32>
    %get3A_686 = arith.constant 2352 : index
    %get3A_687 = tpu.vector_load %arg7[%get3A_686] {strides = array<i32>} : memref<3328xf32, #tpu.memory_space<vmem>>, vector<16xf32>,
    %get3A_688 = vector.shape_cast %get3A_687 : vector<16xf32> to vector<16xf32>
    %add3A_689 = arith.addf %add3A_685, %get3A_688 : vector<16xf32>
    %get3A_690 = arith.constant 2480 : index
    %get3A_691 = tpu.vector_load %arg7[%get3A_690] {strides = array<i32>} : memref<3328xf32, #tpu.memory_space<vmem>>, vector<16xf32>,
    %get3A_692 = vector.shape_cast %get3A_691 : vector<16xf32> to vector<16xf32>
    %add3A_693 = arith.addf %add3A_689, %get3A_692 : vector<16xf32>
    %get3A_694 = arith.constant 2608 : index
    %get3A_695 = tpu.vector_load %arg7[%get3A_694] {strides = array<i32>} : memref<3328xf32, #tpu.memory_space<vmem>>, vector<16xf32>,
    %get3A_696 = vector.shape_cast %get3A_695 : vector<16xf32> to vector<16xf32>
    %add3A_697 = arith.addf %add3A_693, %get3A_696 : vector<16xf32>
    %get3A_698 = arith.constant 2736 : index
    %get3A_699 = tpu.vector_load %arg7[%get3A_698] {strides = array<i32>} : memref<3328xf32, #tpu.memory_space<vmem>>, vector<16xf32>,
    %get3A_700 = vector.shape_cast %get3A_699 : vector<16xf32> to vector<16xf32>
    %add3A_701 = arith.addf %add3A_697, %get3A_700 : vector<16xf32>
    %get3A_702 = arith.constant 2864 : index
    %get3A_703 = tpu.vector_load %arg7[%get3A_702] {strides = array<i32>} : memref<3328xf32, #tpu.memory_space<vmem>>, vector<16xf32>,
    %get3A_704 = vector.shape_cast %get3A_703 : vector<16xf32> to vector<16xf32>
    %add3A_705 = arith.addf %add3A_701, %get3A_704 : vector<16xf32>
    %get3A_706 = arith.constant 2992 : index
    %get3A_707 = tpu.vector_load %arg7[%get3A_706] {strides = array<i32>} : memref<3328xf32, #tpu.memory_space<vmem>>, vector<16xf32>,
    %get3A_708 = vector.shape_cast %get3A_707 : vector<16xf32> to vector<16xf32>
    %add3A_709 = arith.addf %add3A_705, %get3A_708 : vector<16xf32>
    %get3A_710 = arith.constant 3120 : index
    %get3A_711 = tpu.vector_load %arg7[%get3A_710] {strides = array<i32>} : memref<3328xf32, #tpu.memory_space<vmem>>, vector<16xf32>,
    %get3A_712 = vector.shape_cast %get3A_711 : vector<16xf32> to vector<16xf32>
    %add3A_713 = arith.addf %add3A_709, %get3A_712 : vector<16xf32>
    %get3A_714 = arith.constant 3248 : index
    %get3A_715 = tpu.vector_load %arg7[%get3A_714] {strides = array<i32>} : memref<3328xf32, #tpu.memory_space<vmem>>, vector<16xf32>,
    %get3A_716 = vector.shape_cast %get3A_715 : vector<16xf32> to vector<16xf32>
    %add3A_717 = arith.addf %add3A_713, %get3A_716 : vector<16xf32>
    %swap3A_718 = arith.constant 48 : index
    %swap3A_719 = tpu.vector_load %arg8[%swap3A_718] {strides = array<i32>} : memref<128xf32, #tpu.memory_space<vmem>>, vector<16xf32>,
    %swap3A_720 = vector.shape_cast %swap3A_719 : vector<16xf32> to vector<16xf32>
    %swap3A_721 = vector.shape_cast %add3A_717 : vector<16xf32> to vector<16xf32>
    tpu.vector_store %arg8[%swap3A_718], %swap3A_721 {strides = array<i32>} : memref<128xf32, #tpu.memory_space<vmem>>, vector<16xf32>,
    %get3A_722 = arith.constant 1728 : index
    %get3A_723 = tpu.vector_load %arg7[%get3A_722] {strides = array<i32>} : memref<3328xf32, #tpu.memory_space<vmem>>, vector<16xf32>,
    %get3A_724 = vector.shape_cast %get3A_723 : vector<16xf32> to vector<16xf32>
    %add3A_725 = arith.addf %add3A_332, %get3A_724 : vector<16xf32>
    %get3A_726 = arith.constant 1856 : index
    %get3A_727 = tpu.vector_load %arg7[%get3A_726] {strides = array<i32>} : memref<3328xf32, #tpu.memory_space<vmem>>, vector<16xf32>,
    %get3A_728 = vector.shape_cast %get3A_727 : vector<16xf32> to vector<16xf32>
    %add3A_729 = arith.addf %add3A_725, %get3A_728 : vector<16xf32>
    %get3A_730 = arith.constant 1984 : index
    %get3A_731 = tpu.vector_load %arg7[%get3A_730] {strides = array<i32>} : memref<3328xf32, #tpu.memory_space<vmem>>, vector<16xf32>,
    %get3A_732 = vector.shape_cast %get3A_731 : vector<16xf32> to vector<16xf32>
    %add3A_733 = arith.addf %add3A_729, %get3A_732 : vector<16xf32>
    %get3A_734 = arith.constant 2112 : index
    %get3A_735 = tpu.vector_load %arg7[%get3A_734] {strides = array<i32>} : memref<3328xf32, #tpu.memory_space<vmem>>, vector<16xf32>,
    %get3A_736 = vector.shape_cast %get3A_735 : vector<16xf32> to vector<16xf32>
    %add3A_737 = arith.addf %add3A_733, %get3A_736 : vector<16xf32>
    %get3A_738 = arith.constant 2240 : index
    %get3A_739 = tpu.vector_load %arg7[%get3A_738] {strides = array<i32>} : memref<3328xf32, #tpu.memory_space<vmem>>, vector<16xf32>,
    %get3A_740 = vector.shape_cast %get3A_739 : vector<16xf32> to vector<16xf32>
    %add3A_741 = arith.addf %add3A_737, %get3A_740 : vector<16xf32>
    %get3A_742 = arith.constant 2368 : index
    %get3A_743 = tpu.vector_load %arg7[%get3A_742] {strides = array<i32>} : memref<3328xf32, #tpu.memory_space<vmem>>, vector<16xf32>,
    %get3A_744 = vector.shape_cast %get3A_743 : vector<16xf32> to vector<16xf32>
    %add3A_745 = arith.addf %add3A_741, %get3A_744 : vector<16xf32>
    %get3A_746 = arith.constant 2496 : index
    %get3A_747 = tpu.vector_load %arg7[%get3A_746] {strides = array<i32>} : memref<3328xf32, #tpu.memory_space<vmem>>, vector<16xf32>,
    %get3A_748 = vector.shape_cast %get3A_747 : vector<16xf32> to vector<16xf32>
    %add3A_749 = arith.addf %add3A_745, %get3A_748 : vector<16xf32>
    %get3A_750 = arith.constant 2624 : index
    %get3A_751 = tpu.vector_load %arg7[%get3A_750] {strides = array<i32>} : memref<3328xf32, #tpu.memory_space<vmem>>, vector<16xf32>,
    %get3A_752 = vector.shape_cast %get3A_751 : vector<16xf32> to vector<16xf32>
    %add3A_753 = arith.addf %add3A_749, %get3A_752 : vector<16xf32>
    %get3A_754 = arith.constant 2752 : index
    %get3A_755 = tpu.vector_load %arg7[%get3A_754] {strides = array<i32>} : memref<3328xf32, #tpu.memory_space<vmem>>, vector<16xf32>,
    %get3A_756 = vector.shape_cast %get3A_755 : vector<16xf32> to vector<16xf32>
    %add3A_757 = arith.addf %add3A_753, %get3A_756 : vector<16xf32>
    %get3A_758 = arith.constant 2880 : index
    %get3A_759 = tpu.vector_load %arg7[%get3A_758] {strides = array<i32>} : memref<3328xf32, #tpu.memory_space<vmem>>, vector<16xf32>,
    %get3A_760 = vector.shape_cast %get3A_759 : vector<16xf32> to vector<16xf32>
    %add3A_761 = arith.addf %add3A_757, %get3A_760 : vector<16xf32>
    %get3A_762 = arith.constant 3008 : index
    %get3A_763 = tpu.vector_load %arg7[%get3A_762] {strides = array<i32>} : memref<3328xf32, #tpu.memory_space<vmem>>, vector<16xf32>,
    %get3A_764 = vector.shape_cast %get3A_763 : vector<16xf32> to vector<16xf32>
    %add3A_765 = arith.addf %add3A_761, %get3A_764 : vector<16xf32>
    %get3A_766 = arith.constant 3136 : index
    %get3A_767 = tpu.vector_load %arg7[%get3A_766] {strides = array<i32>} : memref<3328xf32, #tpu.memory_space<vmem>>, vector<16xf32>,
    %get3A_768 = vector.shape_cast %get3A_767 : vector<16xf32> to vector<16xf32>
    %add3A_769 = arith.addf %add3A_765, %get3A_768 : vector<16xf32>
    %get3A_770 = arith.constant 3264 : index
    %get3A_771 = tpu.vector_load %arg7[%get3A_770] {strides = array<i32>} : memref<3328xf32, #tpu.memory_space<vmem>>, vector<16xf32>,
    %get3A_772 = vector.shape_cast %get3A_771 : vector<16xf32> to vector<16xf32>
    %add3A_773 = arith.addf %add3A_769, %get3A_772 : vector<16xf32>
    %swap3A_774 = arith.constant 64 : index
    %swap3A_775 = tpu.vector_load %arg8[%swap3A_774] {strides = array<i32>} : memref<128xf32, #tpu.memory_space<vmem>>, vector<16xf32>,
    %swap3A_776 = vector.shape_cast %swap3A_775 : vector<16xf32> to vector<16xf32>
    %swap3A_777 = vector.shape_cast %add3A_773 : vector<16xf32> to vector<16xf32>
    tpu.vector_store %arg8[%swap3A_774], %swap3A_777 {strides = array<i32>} : memref<128xf32, #tpu.memory_space<vmem>>, vector<16xf32>,
    %get3A_778 = arith.constant 1744 : index
    %get3A_779 = tpu.vector_load %arg7[%get3A_778] {strides = array<i32>} : memref<3328xf32, #tpu.memory_space<vmem>>, vector<16xf32>,
    %get3A_780 = vector.shape_cast %get3A_779 : vector<16xf32> to vector<16xf32>
    %add3A_781 = arith.addf %add3A_384, %get3A_780 : vector<16xf32>
    %get3A_782 = arith.constant 1872 : index
    %get3A_783 = tpu.vector_load %arg7[%get3A_782] {strides = array<i32>} : memref<3328xf32, #tpu.memory_space<vmem>>, vector<16xf32>,
    %get3A_784 = vector.shape_cast %get3A_783 : vector<16xf32> to vector<16xf32>
    %add3A_785 = arith.addf %add3A_781, %get3A_784 : vector<16xf32>
    %get3A_786 = arith.constant 2000 : index
    %get3A_787 = tpu.vector_load %arg7[%get3A_786] {strides = array<i32>} : memref<3328xf32, #tpu.memory_space<vmem>>, vector<16xf32>,
    %get3A_788 = vector.shape_cast %get3A_787 : vector<16xf32> to vector<16xf32>
    %add3A_789 = arith.addf %add3A_785, %get3A_788 : vector<16xf32>
    %get3A_790 = arith.constant 2128 : index
    %get3A_791 = tpu.vector_load %arg7[%get3A_790] {strides = array<i32>} : memref<3328xf32, #tpu.memory_space<vmem>>, vector<16xf32>,
    %get3A_792 = vector.shape_cast %get3A_791 : vector<16xf32> to vector<16xf32>
    %add3A_793 = arith.addf %add3A_789, %get3A_792 : vector<16xf32>
    %get3A_794 = arith.constant 2256 : index
    %get3A_795 = tpu.vector_load %arg7[%get3A_794] {strides = array<i32>} : memref<3328xf32, #tpu.memory_space<vmem>>, vector<16xf32>,
    %get3A_796 = vector.shape_cast %get3A_795 : vector<16xf32> to vector<16xf32>
    %add3A_797 = arith.addf %add3A_793, %get3A_796 : vector<16xf32>
    %get3A_798 = arith.constant 2384 : index
    %get3A_799 = tpu.vector_load %arg7[%get3A_798] {strides = array<i32>} : memref<3328xf32, #tpu.memory_space<vmem>>, vector<16xf32>,
    %get3A_800 = vector.shape_cast %get3A_799 : vector<16xf32> to vector<16xf32>
    %add3A_801 = arith.addf %add3A_797, %get3A_800 : vector<16xf32>
    %get3A_802 = arith.constant 2512 : index
    %get3A_803 = tpu.vector_load %arg7[%get3A_802] {strides = array<i32>} : memref<3328xf32, #tpu.memory_space<vmem>>, vector<16xf32>,
    %get3A_804 = vector.shape_cast %get3A_803 : vector<16xf32> to vector<16xf32>
    %add3A_805 = arith.addf %add3A_801, %get3A_804 : vector<16xf32>
    %get3A_806 = arith.constant 2640 : index
    %get3A_807 = tpu.vector_load %arg7[%get3A_806] {strides = array<i32>} : memref<3328xf32, #tpu.memory_space<vmem>>, vector<16xf32>,
    %get3A_808 = vector.shape_cast %get3A_807 : vector<16xf32> to vector<16xf32>
    %add3A_809 = arith.addf %add3A_805, %get3A_808 : vector<16xf32>
    %get3A_810 = arith.constant 2768 : index
    %get3A_811 = tpu.vector_load %arg7[%get3A_810] {strides = array<i32>} : memref<3328xf32, #tpu.memory_space<vmem>>, vector<16xf32>,
    %get3A_812 = vector.shape_cast %get3A_811 : vector<16xf32> to vector<16xf32>
    %add3A_813 = arith.addf %add3A_809, %get3A_812 : vector<16xf32>
    %get3A_814 = arith.constant 2896 : index
    %get3A_815 = tpu.vector_load %arg7[%get3A_814] {strides = array<i32>} : memref<3328xf32, #tpu.memory_space<vmem>>, vector<16xf32>,
    %get3A_816 = vector.shape_cast %get3A_815 : vector<16xf32> to vector<16xf32>
    %add3A_817 = arith.addf %add3A_813, %get3A_816 : vector<16xf32>
    %get3A_818 = arith.constant 3024 : index
    %get3A_819 = tpu.vector_load %arg7[%get3A_818] {strides = array<i32>} : memref<3328xf32, #tpu.memory_space<vmem>>, vector<16xf32>,
    %get3A_820 = vector.shape_cast %get3A_819 : vector<16xf32> to vector<16xf32>
    %add3A_821 = arith.addf %add3A_817, %get3A_820 : vector<16xf32>
    %get3A_822 = arith.constant 3152 : index
    %get3A_823 = tpu.vector_load %arg7[%get3A_822] {strides = array<i32>} : memref<3328xf32, #tpu.memory_space<vmem>>, vector<16xf32>,
    %get3A_824 = vector.shape_cast %get3A_823 : vector<16xf32> to vector<16xf32>
    %add3A_825 = arith.addf %add3A_821, %get3A_824 : vector<16xf32>
    %get3A_826 = arith.constant 3280 : index
    %get3A_827 = tpu.vector_load %arg7[%get3A_826] {strides = array<i32>} : memref<3328xf32, #tpu.memory_space<vmem>>, vector<16xf32>,
    %get3A_828 = vector.shape_cast %get3A_827 : vector<16xf32> to vector<16xf32>
    %add3A_829 = arith.addf %add3A_825, %get3A_828 : vector<16xf32>
    %swap3A_830 = arith.constant 80 : index
    %swap3A_831 = tpu.vector_load %arg8[%swap3A_830] {strides = array<i32>} : memref<128xf32, #tpu.memory_space<vmem>>, vector<16xf32>,
    %swap3A_832 = vector.shape_cast %swap3A_831 : vector<16xf32> to vector<16xf32>
    %swap3A_833 = vector.shape_cast %add3A_829 : vector<16xf32> to vector<16xf32>
    tpu.vector_store %arg8[%swap3A_830], %swap3A_833 {strides = array<i32>} : memref<128xf32, #tpu.memory_space<vmem>>, vector<16xf32>,
    %get3A_834 = arith.constant 1760 : index
    %get3A_835 = tpu.vector_load %arg7[%get3A_834] {strides = array<i32>} : memref<3328xf32, #tpu.memory_space<vmem>>, vector<16xf32>,
    %get3A_836 = vector.shape_cast %get3A_835 : vector<16xf32> to vector<16xf32>
    %add3A_837 = arith.addf %add3A_436, %get3A_836 : vector<16xf32>
    %get3A_838 = arith.constant 1888 : index
    %get3A_839 = tpu.vector_load %arg7[%get3A_838] {strides = array<i32>} : memref<3328xf32, #tpu.memory_space<vmem>>, vector<16xf32>,
    %get3A_840 = vector.shape_cast %get3A_839 : vector<16xf32> to vector<16xf32>
    %add3A_841 = arith.addf %add3A_837, %get3A_840 : vector<16xf32>
    %get3A_842 = arith.constant 2016 : index
    %get3A_843 = tpu.vector_load %arg7[%get3A_842] {strides = array<i32>} : memref<3328xf32, #tpu.memory_space<vmem>>, vector<16xf32>,
    %get3A_844 = vector.shape_cast %get3A_843 : vector<16xf32> to vector<16xf32>
    %add3A_845 = arith.addf %add3A_841, %get3A_844 : vector<16xf32>
    %get3A_846 = arith.constant 2144 : index
    %get3A_847 = tpu.vector_load %arg7[%get3A_846] {strides = array<i32>} : memref<3328xf32, #tpu.memory_space<vmem>>, vector<16xf32>,
    %get3A_848 = vector.shape_cast %get3A_847 : vector<16xf32> to vector<16xf32>
    %add3A_849 = arith.addf %add3A_845, %get3A_848 : vector<16xf32>
    %get3A_850 = arith.constant 2272 : index
    %get3A_851 = tpu.vector_load %arg7[%get3A_850] {strides = array<i32>} : memref<3328xf32, #tpu.memory_space<vmem>>, vector<16xf32>,
    %get3A_852 = vector.shape_cast %get3A_851 : vector<16xf32> to vector<16xf32>
    %add3A_853 = arith.addf %add3A_849, %get3A_852 : vector<16xf32>
    %get3A_854 = arith.constant 2400 : index
    %get3A_855 = tpu.vector_load %arg7[%get3A_854] {strides = array<i32>} : memref<3328xf32, #tpu.memory_space<vmem>>, vector<16xf32>,
    %get3A_856 = vector.shape_cast %get3A_855 : vector<16xf32> to vector<16xf32>
    %add3A_857 = arith.addf %add3A_853, %get3A_856 : vector<16xf32>
    %get3A_858 = arith.constant 2528 : index
    %get3A_859 = tpu.vector_load %arg7[%get3A_858] {strides = array<i32>} : memref<3328xf32, #tpu.memory_space<vmem>>, vector<16xf32>,
    %get3A_860 = vector.shape_cast %get3A_859 : vector<16xf32> to vector<16xf32>
    %add3A_861 = arith.addf %add3A_857, %get3A_860 : vector<16xf32>
    %get3A_862 = arith.constant 2656 : index
    %get3A_863 = tpu.vector_load %arg7[%get3A_862] {strides = array<i32>} : memref<3328xf32, #tpu.memory_space<vmem>>, vector<16xf32>,
    %get3A_864 = vector.shape_cast %get3A_863 : vector<16xf32> to vector<16xf32>
    %add3A_865 = arith.addf %add3A_861, %get3A_864 : vector<16xf32>
    %get3A_866 = arith.constant 2784 : index
    %get3A_867 = tpu.vector_load %arg7[%get3A_866] {strides = array<i32>} : memref<3328xf32, #tpu.memory_space<vmem>>, vector<16xf32>,
    %get3A_868 = vector.shape_cast %get3A_867 : vector<16xf32> to vector<16xf32>
    %add3A_869 = arith.addf %add3A_865, %get3A_868 : vector<16xf32>
    %get3A_870 = arith.constant 2912 : index
    %get3A_871 = tpu.vector_load %arg7[%get3A_870] {strides = array<i32>} : memref<3328xf32, #tpu.memory_space<vmem>>, vector<16xf32>,
    %get3A_872 = vector.shape_cast %get3A_871 : vector<16xf32> to vector<16xf32>
    %add3A_873 = arith.addf %add3A_869, %get3A_872 : vector<16xf32>
    %get3A_874 = arith.constant 3040 : index
    %get3A_875 = tpu.vector_load %arg7[%get3A_874] {strides = array<i32>} : memref<3328xf32, #tpu.memory_space<vmem>>, vector<16xf32>,
    %get3A_876 = vector.shape_cast %get3A_875 : vector<16xf32> to vector<16xf32>
    %add3A_877 = arith.addf %add3A_873, %get3A_876 : vector<16xf32>
    %get3A_878 = arith.constant 3168 : index
    %get3A_879 = tpu.vector_load %arg7[%get3A_878] {strides = array<i32>} : memref<3328xf32, #tpu.memory_space<vmem>>, vector<16xf32>,
    %get3A_880 = vector.shape_cast %get3A_879 : vector<16xf32> to vector<16xf32>
    %add3A_881 = arith.addf %add3A_877, %get3A_880 : vector<16xf32>
    %get3A_882 = arith.constant 3296 : index
    %get3A_883 = tpu.vector_load %arg7[%get3A_882] {strides = array<i32>} : memref<3328xf32, #tpu.memory_space<vmem>>, vector<16xf32>,
    %get3A_884 = vector.shape_cast %get3A_883 : vector<16xf32> to vector<16xf32>
    %add3A_885 = arith.addf %add3A_881, %get3A_884 : vector<16xf32>
    %swap3A_886 = arith.constant 96 : index
    %swap3A_887 = tpu.vector_load %arg8[%swap3A_886] {strides = array<i32>} : memref<128xf32, #tpu.memory_space<vmem>>, vector<16xf32>,
    %swap3A_888 = vector.shape_cast %swap3A_887 : vector<16xf32> to vector<16xf32>
    %swap3A_889 = vector.shape_cast %add3A_885 : vector<16xf32> to vector<16xf32>
    tpu.vector_store %arg8[%swap3A_886], %swap3A_889 {strides = array<i32>} : memref<128xf32, #tpu.memory_space<vmem>>, vector<16xf32>,
    %get3A_890 = arith.constant 1776 : index
    %get3A_891 = tpu.vector_load %arg7[%get3A_890] {strides = array<i32>} : memref<3328xf32, #tpu.memory_space<vmem>>, vector<16xf32>,
    %get3A_892 = vector.shape_cast %get3A_891 : vector<16xf32> to vector<16xf32>
    %add3A_893 = arith.addf %add3A_488, %get3A_892 : vector<16xf32>
    %get3A_894 = arith.constant 1904 : index
    %get3A_895 = tpu.vector_load %arg7[%get3A_894] {strides = array<i32>} : memref<3328xf32, #tpu.memory_space<vmem>>, vector<16xf32>,
    %get3A_896 = vector.shape_cast %get3A_895 : vector<16xf32> to vector<16xf32>
    %add3A_897 = arith.addf %add3A_893, %get3A_896 : vector<16xf32>
    %get3A_898 = arith.constant 2032 : index
    %get3A_899 = tpu.vector_load %arg7[%get3A_898] {strides = array<i32>} : memref<3328xf32, #tpu.memory_space<vmem>>, vector<16xf32>,
    %get3A_900 = vector.shape_cast %get3A_899 : vector<16xf32> to vector<16xf32>
    %add3A_901 = arith.addf %add3A_897, %get3A_900 : vector<16xf32>
    %get3A_902 = arith.constant 2160 : index
    %get3A_903 = tpu.vector_load %arg7[%get3A_902] {strides = array<i32>} : memref<3328xf32, #tpu.memory_space<vmem>>, vector<16xf32>,
    %get3A_904 = vector.shape_cast %get3A_903 : vector<16xf32> to vector<16xf32>
    %add3A_905 = arith.addf %add3A_901, %get3A_904 : vector<16xf32>
    %get3A_906 = arith.constant 2288 : index
    %get3A_907 = tpu.vector_load %arg7[%get3A_906] {strides = array<i32>} : memref<3328xf32, #tpu.memory_space<vmem>>, vector<16xf32>,
    %get3A_908 = vector.shape_cast %get3A_907 : vector<16xf32> to vector<16xf32>
    %add3A_909 = arith.addf %add3A_905, %get3A_908 : vector<16xf32>
    %get3A_910 = arith.constant 2416 : index
    %get3A_911 = tpu.vector_load %arg7[%get3A_910] {strides = array<i32>} : memref<3328xf32, #tpu.memory_space<vmem>>, vector<16xf32>,
    %get3A_912 = vector.shape_cast %get3A_911 : vector<16xf32> to vector<16xf32>
    %add3A_913 = arith.addf %add3A_909, %get3A_912 : vector<16xf32>
    %get3A_914 = arith.constant 2544 : index
    %get3A_915 = tpu.vector_load %arg7[%get3A_914] {strides = array<i32>} : memref<3328xf32, #tpu.memory_space<vmem>>, vector<16xf32>,
    %get3A_916 = vector.shape_cast %get3A_915 : vector<16xf32> to vector<16xf32>
    %add3A_917 = arith.addf %add3A_913, %get3A_916 : vector<16xf32>
    %get3A_918 = arith.constant 2672 : index
    %get3A_919 = tpu.vector_load %arg7[%get3A_918] {strides = array<i32>} : memref<3328xf32, #tpu.memory_space<vmem>>, vector<16xf32>,
    %get3A_920 = vector.shape_cast %get3A_919 : vector<16xf32> to vector<16xf32>
    %add3A_921 = arith.addf %add3A_917, %get3A_920 : vector<16xf32>
    %get3A_922 = arith.constant 2800 : index
    %get3A_923 = tpu.vector_load %arg7[%get3A_922] {strides = array<i32>} : memref<3328xf32, #tpu.memory_space<vmem>>, vector<16xf32>,
    %get3A_924 = vector.shape_cast %get3A_923 : vector<16xf32> to vector<16xf32>
    %add3A_925 = arith.addf %add3A_921, %get3A_924 : vector<16xf32>
    %get3A_926 = arith.constant 2928 : index
    %get3A_927 = tpu.vector_load %arg7[%get3A_926] {strides = array<i32>} : memref<3328xf32, #tpu.memory_space<vmem>>, vector<16xf32>,
    %get3A_928 = vector.shape_cast %get3A_927 : vector<16xf32> to vector<16xf32>
    %add3A_929 = arith.addf %add3A_925, %get3A_928 : vector<16xf32>
    %get3A_930 = arith.constant 3056 : index
    %get3A_931 = tpu.vector_load %arg7[%get3A_930] {strides = array<i32>} : memref<3328xf32, #tpu.memory_space<vmem>>, vector<16xf32>,
    %get3A_932 = vector.shape_cast %get3A_931 : vector<16xf32> to vector<16xf32>
    %add3A_933 = arith.addf %add3A_929, %get3A_932 : vector<16xf32>
    %get3A_934 = arith.constant 3184 : index
    %get3A_935 = tpu.vector_load %arg7[%get3A_934] {strides = array<i32>} : memref<3328xf32, #tpu.memory_space<vmem>>, vector<16xf32>,
    %get3A_936 = vector.shape_cast %get3A_935 : vector<16xf32> to vector<16xf32>
    %add3A_937 = arith.addf %add3A_933, %get3A_936 : vector<16xf32>
    %get3A_938 = arith.constant 3312 : index
    %get3A_939 = tpu.vector_load %arg7[%get3A_938] {strides = array<i32>} : memref<3328xf32, #tpu.memory_space<vmem>>, vector<16xf32>,
    %get3A_940 = vector.shape_cast %get3A_939 : vector<16xf32> to vector<16xf32>
    %add3A_941 = arith.addf %add3A_937, %get3A_940 : vector<16xf32>
    %swap3A_942 = arith.constant 112 : index
    %swap3A_943 = tpu.vector_load %arg8[%swap3A_942] {strides = array<i32>} : memref<128xf32, #tpu.memory_space<vmem>>, vector<16xf32>,
    %swap3A_944 = vector.shape_cast %swap3A_943 : vector<16xf32> to vector<16xf32>
    %swap3A_945 = vector.shape_cast %add3A_941 : vector<16xf32> to vector<16xf32>
    tpu.vector_store %arg8[%swap3A_942], %swap3A_945 {strides = array<i32>} : memref<128xf32, #tpu.memory_space<vmem>>, vector<16xf32>,
    %mul3A_946 = arith.constant 128 : i32
    %mul3A_947 = arith.muli %add3A, %mul3A_946 : i32
    "tpu.region"() ({
      %run_scoped3A = tpu.sem_alloc : memref<!tpu.dma_semaphore, #tpu.memory_space<semaphore_mem>>
      %dma_start3A_948 = tpu.memref_slice %arg5[%mul3A_947] : memref<4096xf32, #tpu.memory_space<hbm>> -> memref<128xf32, #tpu.memory_space<hbm>>
      %dma_start3A_949 = tpu.memref_slice %arg5[%mul3A_947] : memref<4096xf32, #tpu.memory_space<hbm>> -> memref<128xf32, #tpu.memory_space<hbm>>
      tpu.enqueue_dma source(%arg8 : memref<128xf32, #tpu.memory_space<vmem>>) target(%dma_start3A_949 : memref<128xf32, #tpu.memory_space<hbm>>) target_semaphore(%run_scoped3A : memref<!tpu.dma_semaphore, #tpu.memory_space<semaphore_mem>>)
      %dma_wait3A_950 = tpu.memref_slice %arg5[%mul3A_947] : memref<4096xf32, #tpu.memory_space<hbm>> -> memref<128xf32, #tpu.memory_space<hbm>>
      %dma_wait3A_951 = tpu.memref_slice %arg5[%mul3A_947] : memref<4096xf32, #tpu.memory_space<hbm>> -> memref<128xf32, #tpu.memory_space<hbm>>
      tpu.wait_dma2 semaphore(%run_scoped3A : memref<!tpu.dma_semaphore, #tpu.memory_space<semaphore_mem>>) src(%arg8 : memref<128xf32, #tpu.memory_space<vmem>>) dst(%dma_wait3A_951 : memref<128xf32, #tpu.memory_space<hbm>>)
      tpu.yield
    }) : () -> ()
    return
  }
}

</mosaic_0001>

<sc_bundles>
// kernel: kernel.3.cloned.1.call-start
scs
__scs_entry_jumppad:
0x0: {  	(pc) =	sbr.rel $0x88, $3  }
0x1: {  	(tag) =	ssettag $0x0;
	lr =	simm.s32 $0x1  }
0x2: {  	[smem:$0x3F9E] =	sst lr;
	_ =	strace $0xD0000000  }
0x3: {  	_ = 	snop  }
0x4: {  	_ = 	snop  }
0x5: {  	_ = 	snop  }
0x6: {  	_ = 	snop  }
0x7: {  	_ = 	snop  }
__scs_overlays_trampoline_lowered:
0x8: {  	[smem:$0x3FAD] =	sst s0  }
0x9: {  	[smem:$0x3FAE] =	sst s1  }
0xa: {  	[smem:$0x3FAF] =	sst s2  }
0xb: {  	[smem:$0x3FB0] =	sst s3  }
0xc: {  	[smem:$0x3FB1] =	sst s4  }
0xd: {  	[smem:$0x3FB2] =	sst s5  }
0xe: {  	[smem:$0x3FB3] =	sst s6  }
0xf: {  	[smem:$0x3FB4] =	sst s7  }
0x10: {  	[smem:$0x3FB5] =	sst s8  }
0x11: {  	[smem:$0x3FB6] =	sst s9;
	s0 =	simm.s32 @!p0 $0x0  }
0x12: {  	s1 =	sld [smem:$0x3F9C];
	s0 =	simm.s32 @p0 $0x1  }
0x13: {  	[smem:$0x3FB7] =	sst s0;
	s0 =	simm.s32 @!p1 $0x0  }
0x14: {  	s2 =	sld [smem:$0x3F9B];
	s0 =	simm.s32 @p1 $0x1  }
0x15: {  	[smem:$0x3FB8] =	sst s0;
	s0 =	simm.s32 @!p2 $0x0  }
0x16: {  	s3 =	sld [smem:$0x3FDB];
	s0 =	simm.s32 @p2 $0x1  }
0x17: {  	s4 =	simm.s32 $0x1BF5;
	[smem:$0x3FBA] =	sst s0  }
0x18: {  	s0 =	sld [smem:$0x3F9D];
	_ =	swait.ge [sflag:s4], $0x0  }
0x19: {  	s7 =	sld [smem:$0x3F9E]  }
0x1a: {  	s8 =	sadd.s32 $0xFFFFE003, lr  }
0x1b: {  	s9 =	sadd.s32 $0xFFFFFEF7, lr;
	s5 =	simm.s32 $0xFFFFFFFF;
	p2 =	slt.u32 s8, $0xFFFFF086  }
0x1c: {  	p1 =	slt.u32 s9, $0xF7A;
	s5 =	simm.s32 @!p2 $0x0  }
0x1d: {  	s5 =	simm.s32 @p1 $0x1;
	p0 =	seq.s32 s7, s2  }
0x1e: {  	s7 =	smul.u32 @!p0 $0xF7A, s2;
	p2 =	seq.s32 @!p0 s5, $0x0  }
0x1f: {  	s9 =	smul.u32 $0xF7A, s1;
	s8 =	simm.s32 @!p0 $0x1BF5;
	p2 =	por !p2, p0  }
0x20: {  	[sflag:s8] =	ssyncset.s32 @!p0 $0xFFFFF086;
	s6 =	sadd.s32 @!p0 s3, s7;
	s7 =	simm.s32 @!p0 $0x108  }
0x21: {  	s3 =	sadd.s32 s3, s9;
	s6 =	sadd.s32 @!p0 $0x88, s6;
	s7 =	simm.s32 @p2 $0x1082  }
0x22: {  	[simem:s7], [sflag:s8] =	dma.local @!p0 [hbm:s6], $0xF7A  }
0x23: {  	s9 =	sor.u32 $0xD0000000, s2;
	s6 =	simm.s32 $0x108;
	_ =	swait.ge @!p0 [sflag:s8], $0x0  }
0x24: {  	s3 =	sadd.s32 $0x88, s3;
	s6 =	simm.s32 @!p1 $0x1082;
	[sflag:s4] =	ssyncset.s32 $0xFFFFF086  }
0x25: {  	[simem:s6], [sflag:s4] =	dma.local [hbm:s3], $0xF7A  }
0x26: {  	[smem:$0x3F9E] =	sst s1;
	(tag) =	ssettag s2;
	_ =	strace s9  }
0x27: {  	s1 =	sld [smem:$0x3FAE]  }
0x28: {  	s2 =	sld [smem:$0x3FAF]  }
0x29: {  	s4 =	sld [smem:$0x3FB1]  }
0x2a: {  	p0 =	seq.s32 s5, $0x0;
	s5 =	sld [smem:$0x3FB2]  }
0x2b: {  	s6 =	sld [smem:$0x3FB3]  }
0x2c: {  	s7 =	sld [smem:$0x3FB4]  }
0x2d: {  	s3 =	simm.s32 $0x108;
	s8 =	sld [smem:$0x3FB5]  }
0x2e: {  	s3 =	simm.s32 @!p0 $0x1082;
	s9 =	sld [smem:$0x3FB6]  }
0x2f: {  	lr =	sadd.s32 s0, s3;
	s0 =	sld [smem:$0x3FAD]  }
0x30: {  	s3 =	sld [smem:$0x3FB0]  }
0x31: {  	[smem:$0x3FB9] =	sst s10  }
0x32: {  	s10 =	sld [smem:$0x3FB7];
	_ =	sdelay $0x3  }
0x33: {  	p0 =	seq.s32 s10, $0x1;
	s10 =	sld [smem:$0x3FB9];
	_ =	sdelay $0x3  }
0x34: {  	[smem:$0x3FB9] =	sst s10  }
0x35: {  	s10 =	sld [smem:$0x3FB8];
	_ =	sdelay $0x3  }
0x36: {  	p1 =	seq.s32 s10, $0x1;
	s10 =	sld [smem:$0x3FB9];
	_ =	sdelay $0x3  }
0x37: {  	[smem:$0x3FB9] =	sst s10  }
0x38: {  	s10 =	sld [smem:$0x3FBA]  }
0x39: {  	_ = 	snop;
	(pc) =	sbr.ind lr, $3  }
0x3a: {  	_ = 	snop  }
0x3b: {  	_ = 	snop  }
0x3c: {  	p2 =	seq.s32 s10, $0x1;
	s10 =	sld [smem:$0x3FB9]  }
0x3d: {  	_ =	shalt  }
0x3e: {  	_ =	shalt  }
0x3f: {  	_ =	shalt  }
0x40: {  	_ =	shalt  }
0x41: {  	_ =	shalt  }
0x42: {  	_ =	shalt  }
0x43: {  	_ =	shalt  }
0x44: {  	_ =	shalt  }
0x45: {  	_ =	shalt  }
0x46: {  	_ =	shalt  }
0x47: {  	_ =	shalt  }
0x48: {  	_ =	shalt  }
0x49: {  	_ =	shalt  }
0x4a: {  	_ =	shalt  }
0x4b: {  	_ =	shalt  }
0x4c: {  	_ =	shalt  }
0x4d: {  	_ =	shalt  }
0x4e: {  	_ =	shalt  }
0x4f: {  	_ =	shalt  }
0x50: {  	_ =	shalt  }
0x51: {  	_ =	shalt  }
0x52: {  	_ =	shalt  }
0x53: {  	_ =	shalt  }
0x54: {  	_ =	shalt  }
0x55: {  	_ =	shalt  }
0x56: {  	_ =	shalt  }
0x57: {  	_ =	shalt  }
0x58: {  	_ =	shalt  }
0x59: {  	_ =	shalt  }
0x5a: {  	_ =	shalt  }
0x5b: {  	_ =	shalt  }
0x5c: {  	_ =	shalt  }
0x5d: {  	_ =	shalt  }
0x5e: {  	_ =	shalt  }
0x5f: {  	_ =	shalt  }
0x60: {  	_ =	shalt  }
0x61: {  	_ =	shalt  }
0x62: {  	_ =	shalt  }
0x63: {  	_ =	shalt  }
0x64: {  	_ =	shalt  }
0x65: {  	_ =	shalt  }
0x66: {  	_ =	shalt  }
0x67: {  	_ =	shalt  }
0x68: {  	_ =	shalt  }
0x69: {  	_ =	shalt  }
0x6a: {  	_ =	shalt  }
0x6b: {  	_ =	shalt  }
0x6c: {  	_ =	shalt  }
0x6d: {  	_ =	shalt  }
0x6e: {  	_ =	shalt  }
0x6f: {  	_ =	shalt  }
0x70: {  	_ =	shalt  }
0x71: {  	_ =	shalt  }
0x72: {  	_ =	shalt  }
0x73: {  	_ =	shalt  }
0x74: {  	_ =	shalt  }
0x75: {  	_ =	shalt  }
0x76: {  	_ =	shalt  }
0x77: {  	_ =	shalt  }
0x78: {  	_ =	shalt  }
0x79: {  	_ =	shalt  }
0x7a: {  	_ =	shalt  }
0x7b: {  	_ =	shalt  }
0x7c: {  	_ =	shalt  }
0x7d: {  	_ =	shalt  }
0x7e: {  	_ =	shalt  }
0x7f: {  	_ =	shalt  }
0x80: {  	_ =	shalt  }
0x81: {  	_ =	shalt  }
0x82: {  	_ =	shalt  }
0x83: {  	_ =	shalt  }
0x84: {  	_ =	shalt  }
0x85: {  	_ =	shalt  }
0x86: {  	_ =	shalt  }
0x87: {  	_ =	shalt  }
.Lfunc_end0:
.L_simem_size_0:
called_computation_lowered:
.L_overlay_start_0:
0x88: {  	s2 =	sld [smem:$0x3FD9]  }
0x89: {  	s3 =	sld [smem:$0x3FFE];
	_ =	sdelay $0x1  }
0x8a: {  	s1 =	srdreg.scid  }
0x8b: {  	s0 =	sand.u32 $0x1, s1  }
0x8c: {  	s17 =	sshll.u32 s0, $0xA;
	s2 =	sadd.s32 s3, s2  }
0x8d: {  	s2 =	sadd.s32 s2, s17  }
0x8e: {  	[smem:$0x3FC5] =	sst s2  }
0x8f: {  	_ = 	snop  }
0x90: {  	s2 =	sld [smem:$0x3FC8]  }
0x91: {  	s18 =	sld [smem:$0x3FD0];
	(tm) =	ssettm $0x1  }
0x92: {  	s4 =	sld [smem:$0x3FFB];
	_ =	sdelay $0x3  }
0x93: {  	_ =	strace s4  }
0x94: {  	s4 =	sld [smem:$0x3FFC];
	_ =	sdelay $0x3  }
0x95: {  	_ =	strace s4  }
0x96: {  	s4 =	sld [smem:$0x3FFD];
	_ =	sdelay $0x3  }
0x97: {  	_ =	strace s4  }
0x98: {  	_ =	strace $0x8FFFFFFF  }
0x99: {  	s19 =	sld [smem:$0x3FDB];
	_ =	sdelay $0x1  }
0x9a: {  	s5 =	simm.s32 $_scs_section_size  }
0x9b: {  	s6 =	simm.s32 $_size__tile_overlayer_lowered;
	s7 =	simm.s32 $_tile_overlayer_lowered  }
0x9c: {  	s22 =	simm.s32 $0x1BFF;
	s21 =	sshll.u32 s7, $0x1;
	s4 =	sadd.s32 s5, s19  }
0x9d: {  	s8 =	simm.s32 $0x0;
	s20 =	sshll.u32 s6, $0x1;
	s6 =	sadd.s32 s21, s4  }
0x9e: {  	[timem:s8], [sflag:s22] =	dma.local [hbm:s6], s20  }
0x9f: {  	_ =	swait.ge [sflag:s22], s20  }
0xa0: {  	s5 =	ssub.s32 $0x0, s20;
	[sflag:s22] =	ssyncset.done $0x0  }
0xa1: {  	[sflag:s22] =	ssyncadd.s32 s5;
	_ =	sdelay $0x1  }
0xa2: {  	s23 =	simm.s32 $0x1B8B  }
0xa3: {  	_ =	swait.ge [sflag:s23], $0x1  }
0xa4: {  	[sflag:s23] =	ssyncset.done $0x0  }
0xa5: {  	s25 =	simm.s32 $0x1B8E;
	s24 =	sld [smem:$0x3FFE];
	[sflag:s23] =	ssyncadd.s32 $0xFFFFFFFF  }
0xa6: {  	s26 =	simm.s32 $execute0_lowered;
	[smem:$0x3FD2] =	sst s25  }
0xa7: {  	s6 =	sshll.u32 s26, $0x1;
	_ =	strace $0x80000046;
	[dreg:$0x1] =	wrdreg $0xFFFFFFFF  }
0xa8: {  	s28 =	simm.s32 $_size_execute0_lowered;
	s4 =	sadd.s32 s4, s6;
	[dreg:$0x0] =	wrdreg $0x0  }
0xa9: {  	s6 =	sshll.u32 s28, $0x1;
	[dreg:$0x2] =	wrdreg s4  }
0xaa: {  	[dreg:$0x3] =	wrdreg s6  }
0xab: {  	[dreg:$0x4] =	wrdreg $0xC0  }
0xac: {  	_ =	task [dreg:s8], $0x5FFFF  }
0xad: {  	[dreg:$0x1] =	wrdreg $0xFFFFFFFF  }
0xae: {  	[dreg:$0x0] =	wrdreg $0x60  }
0xaf: {  	[dreg:$0x2] =	wrdreg s24  }
0xb0: {  	[dreg:$0x3] =	wrdreg s2  }
0xb1: {  	[dreg:$0x4] =	wrdreg s18  }
0xb2: {  	[dreg:$0x5] =	wrdreg $0x9  }
0xb3: {  	_ =	task.clear_ibuf [dreg:s8], $0x6FFFF;
	_ =	strace $0x90000046  }
0xb4: {  	s29 =	simm.s32 $0x9;
	_ =	strace $0x80000048  }
0xb5: {  	_ =	swait.ge [sflag:s29], $0x1  }
0xb6: {  	[sflag:s29] =	ssyncadd.s32 $0xFFFFFFFF  }
0xb7: {  	_ =	strace $0x90000048  }
0xb8: {  	_ =	sfence  }
0xb9: {  	s30 =	sld [smem:$0x0];
	_ =	sdelay $0x2  }
0xba: {  	s31 =	sshll.u32 s1, $0xD;
	s1 =	sshrl.u32 s1, $0x2  }
0xbb: {  	s3 =	sand.u32 $0x4000, s31;
	s1 =	sadd.s32 s1, s30  }
0xbc: {  	s0 =	sor.u32 s3, s0;
	s1 =	sshll.u32 s1, $0x11  }
0xbd: {  	s0 =	sor.u32 s1, s0  }
0xbe: {  	s0 =	sadd.s32 $0x8F2B, s0  }
0xbf: {  	[sflag:s0] =	ssyncadd.remote.s32 $0x1  }
0xc0: {  	_ =	sfence.sel $0xFFFF  }
0xc1: {  	[dreg:$0x0] =	wrdreg $0xFFFFFFFF;
	(pc) =	sbr.abs _section_cstart, $3  }
0xc2: {  	[dreg:$0x1] =	wrdreg $0xFFFFFFFF  }
0xc3: {  	_ =	task.clear_ibuf [dreg:s8], $0x2FFFF;
	_ =	strace $0x9FFFFFFF  }
0xc4: {  	(tm) =	ssettm $0x7FFFFFFF  }
0xc5: {  	_ =	shalt  }
tec
execute0_lowered:
.L_overlay_start_1:
0x0: {  	(tag) =	ssettag $0x1  }
0x1: {  	s4 =	rddreg [dreg:$0x0]  }
0x2: {  	s1 =	srdreg.scid;
	s2 =	rddreg [dreg:$0x1]  }
0x3: {  	s0 =	stileid.u32;
	s7 =	rddreg [dreg:$0x2];
	s3 =	simm.s32 $0x0  }
0x4: {  	s11 =	simm.s32 $0x1;
	s12 =	simm.s32 $0xD00;
	s13 =	simm.s32 $0x2  }
0x5: {  	s14 =	simm.s32 $0x1380;
	s5 =	sand.u32 $0x1, s1;
	s31 =	sshll.u32 s0, $0x1  }
0x6: {  	s15 =	simm.s32 $0x3;
	s16 =	simm.s32 $0x1A00;
	s6 =	sor.u32 s5, s31  }
0x7: {  	s17 =	simm.s32 $0x4;
	[smem:$0x7FF] =	sst s3;
	s8 =	smul.u32 $0xD00, s6  }
0x8: {  	s1 =	rddreg [dreg:$0x3];
	_ =	strace $0x80000047;
	s5 =	ssub.s32 $0x2, s5  }
0x9: {  	s9 =	sshrl.u32 s5, $0x1;
	s10 =	sshll.u32 s6, $0x4;
	s8 =	sshrl.u32 s8, $0x3  }
0xa: {  	s9 =	ssub.s32 s5, s9;
	s7 =	sadd.s32 s7, s10;
	s8 =	sadd.s32 s8, s4  }
0xb: {  	s10 =	simm.s32 $0x680;
	s4 =	sadd.s32 $0x3800, s4;
	s5 =	sadd.s32 $0x400, s8  }
0xc: {  	s6 =	sadd.s32 $0x4D0, s8;
	s8 =	smax.u32 s9, $0x1;
	s9 =	simm.s32 $0x1A80  }
.LBB2_1:
0xd: {  	[tilespmem:s9], [sflag:$0x3] =	stream.linear.gather [hbm4b:s4+s3], $0x80, $0x38;
	[tilespmem:$0x1B00] =	vst v63  }
0xe: {  	_ = 	snop  }
0xf: {  	[tilespmem:s3], [sflag:$0x1] =	stream.linear.gather [hbm4b:s5+s3], $0x680, $0x38;
	[tilespmem:$0x1B00] =	vst v63  }
0x10: {  	_ = 	snop  }
0x11: {  	[tilespmem:s10], [sflag:$0x2] =	stream.linear.gather [hbm4b:s6+s3], $0x680, $0x38;
	[tilespmem:$0x1B00] =	vst v63  }
0x12: {  	_ =	swait.ge [sflag:s11], $0x680  }
0x13: {  	[sflag:s11] =	ssyncset.done $0x0  }
0x14: {  	[sflag:s11] =	ssyncadd.s32 $0xFFFFF980  }
0x15: {  	[tilespmem:s12], [sflag:$0x1] =	stream.indirect.gather [hbm4b:s2+s10], $0x1, s3, s10, $0xb8;
	[tilespmem:$0x1B00] =	vst v63  }
0x16: {  	_ =	swait.ge [sflag:s13], $0x680  }
0x17: {  	[sflag:s13] =	ssyncset.done $0x0  }
0x18: {  	[sflag:s13] =	ssyncadd.s32 $0xFFFFF980  }
0x19: {  	[tilespmem:s14], [sflag:$0x2] =	stream.indirect.gather [hbm4b:s2+s10], $0x1, s10, s10, $0xb8;
	[tilespmem:$0x1B00] =	vst v63  }
0x1a: {  	_ =	swait.ge [sflag:s15], $0x80  }
0x1b: {  	[sflag:s15] =	ssyncset.done $0x0  }
0x1c: {  	[sflag:s15] =	ssyncadd.s32 $0xFFFFFF80  }
0x1d: {  	v0 =	vld [tilespmem:$0x1A80];
	_ =	swait.ge [sflag:s11], $0x680  }
0x1e: {  	[sflag:s11] =	ssyncset.done $0x0  }
0x1f: {  	[sflag:s11] =	ssyncadd.s32 $0xFFFFF980  }
0x20: {  	v17 =	vld [tilespmem:$0xD00]  }
0x21: {  	v19 =	vld [tilespmem:$0xD80]  }
0x22: {  	v25 =	vld [tilespmem:$0xE00]  }
0x23: {  	v31 =	vld [tilespmem:$0xE80]  }
0x24: {  	v39 =	vld [tilespmem:$0xF00]  }
0x25: {  	v44 =	vld [tilespmem:$0xF80]  }
0x26: {  	v54 =	vld [tilespmem:$0x1000]  }
0x27: {  	v57 =	vld [tilespmem:$0x1080]  }
0x28: {  	v1 =	vld [tilespmem:$0x1100]  }
0x29: {  	v40 =	vld [tilespmem:$0x1180]  }
0x2a: {  	v41 =	vld [tilespmem:$0x1200]  }
0x2b: {  	v42 =	vld [tilespmem:$0x1280]  }
0x2c: {  	v43 =	vld [tilespmem:$0x1300]  }
0x2d: {  	v7 =	vld [tilespmem:$0xD10]  }
0x2e: {  	v10 =	vld [tilespmem:$0xD90]  }
0x2f: {  	v14 =	vld [tilespmem:$0xE10]  }
0x30: {  	v20 =	vld [tilespmem:$0xE90]  }
0x31: {  	v26 =	vld [tilespmem:$0xF10]  }
0x32: {  	v32 =	vld [tilespmem:$0xF90]  }
0x33: {  	v38 =	vld [tilespmem:$0x1010]  }
0x34: {  	v60 =	vld [tilespmem:$0x1090]  }
0x35: {  	v52 =	vld [tilespmem:$0x1110]  }
0x36: {  	v59 =	vld [tilespmem:$0x1190]  }
0x37: {  	v45 =	vld [tilespmem:$0x1210]  }
0x38: {  	v46 =	vld [tilespmem:$0x1290]  }
0x39: {  	v47 =	vld [tilespmem:$0x1310]  }
0x3a: {  	v3 =	vld [tilespmem:$0xD20]  }
0x3b: {  	v5 =	vld [tilespmem:$0xDA0]  }
0x3c: {  	v8 =	vld [tilespmem:$0xE20]  }
0x3d: {  	v11 =	vld [tilespmem:$0xEA0]  }
0x3e: {  	v16 =	vld [tilespmem:$0xF20]  }
0x3f: {  	v21 =	vld [tilespmem:$0xFA0]  }
0x40: {  	v27 =	vld [tilespmem:$0x1020]  }
0x41: {  	v33 =	vld [tilespmem:$0x10A0]  }
0x42: {  	v63 =	vld [tilespmem:$0x1220]  }
0x43: {  	v48 =	vld [tilespmem:$0x12A0]  }
0x44: {  	v49 =	vld [tilespmem:$0x1320]  }
0x45: {  	v2 =	vld [tilespmem:$0xDB0]  }
0x46: {  	v4 =	vld [tilespmem:$0xE30]  }
0x47: {  	v6 =	vld [tilespmem:$0xEB0]  }
0x48: {  	v9 =	vld [tilespmem:$0xF30]  }
0x49: {  	v12 =	vld [tilespmem:$0xFB0]  }
0x4a: {  	v15 =	vld [tilespmem:$0x1030]  }
0x4b: {  	v22 =	vld [tilespmem:$0x10B0]  }
0x4c: {  	v28 =	vld [tilespmem:$0x1130]  }
0x4d: {  	v34 =	vld [tilespmem:$0x11B0]  }
0x4e: {  	v53 =	vld [tilespmem:$0x1330]  }
0x4f: {  	v55 =	vld [tilespmem:$0xDC0]  }
0x50: {  	v13 =	vld [tilespmem:$0xE40]  }
0x51: {  	v50 =	vld [tilespmem:$0xEC0]  }
0x52: {  	v51 =	vld [tilespmem:$0xF40]  }
0x53: {  	v56 =	vld [tilespmem:$0xFC0]  }
0x54: {  	v58 =	vld [tilespmem:$0x1040]  }
0x55: {  	v61 =	vld [tilespmem:$0x10C0]  }
0x56: {  	v62 =	vld [tilespmem:$0x1140]  }
0x57: {  	v18 =	vld [tilespmem:$0x11C0]  }
0x58: {  	v23 =	vld [tilespmem:$0x1240]  }
0x59: {  	v24 =	vld [tilespmem:$0x12C0]  }
0x5a: {  	v29 =	vld [tilespmem:$0x1340]  }
0x5b: {  	v35 =	vld [tilespmem:$0xD50]  }
0x5c: {  	v30 =	vld [tilespmem:$0xF50]  }
0x5d: {  	v36 =	vld [tilespmem:$0xFD0];
	[tilespmem:$0x1FC90] =	vst v1  }
0x5e: {  	v37 =	vld [tilespmem:$0x1050];
	[tilespmem:$0x1FCA0] =	vst v40  }
0x5f: {  	[tilespmem:$0x1FCB0] =	vst v41;
	v40 =	vld [tilespmem:$0x1120]  }
0x60: {  	[tilespmem:$0x1FCE0] =	vst v46;
	v46 =	vld [tilespmem:$0x11A0]  }
0x61: {  	[tilespmem:$0x1FCD0] =	vst v42;
	v1 =	vld [tilespmem:$0xD30]  }
0x62: {  	[tilespmem:$0x1FCC0] =	vst v45;
	v45 =	vld [tilespmem:$0x1230]  }
0x63: {  	[tilespmem:$0x1FD10] =	vst v47;
	v47 =	vld [tilespmem:$0x12B0]  }
0x64: {  	[tilespmem:$0x1FD20] =	vst v49;
	v49 =	vld [tilespmem:$0xD40]  }
0x65: {  	[tilespmem:$0x1FCF0] =	vst v43;
	v41 =	vld [tilespmem:$0xDD0]  }
0x66: {  	[tilespmem:$0x1FD00] =	vst v48;
	v48 =	vld [tilespmem:$0xE50]  }
0x67: {  	[tilespmem:$0x1FD70] =	vst v56;
	v56 =	vld [tilespmem:$0xED0]  }
0x68: {  	[tilespmem:$0x1FD90] =	vst v58;
	v58 =	vld [tilespmem:$0x12D0]  }
0x69: {  	[tilespmem:$0x1FD30] =	vst v13;
	v42 =	vld [tilespmem:$0x10D0]  }
0x6a: {  	[tilespmem:$0x1FD40] =	vst v50;
	v43 =	vld [tilespmem:$0x1150]  }
0x6b: {  	[tilespmem:$0x1FD50] =	vst v51;
	v50 =	vld [tilespmem:$0x11D0]  }
0x6c: {  	[tilespmem:$0x1FDB0] =	vst v61;
	v51 =	vld [tilespmem:$0x1250]  }
0x6d: {  	[tilespmem:$0x1FEB0] =	vst v58;
	v58 =	vld [tilespmem:$0x1170]  }
0x6e: {  	[tilespmem:$0x1FDE0] =	vst v62;
	v61 =	vld [tilespmem:$0x1350]  }
0x6f: {  	[tilespmem:$0x1FE50] =	vst v23;
	v23 =	vld [tilespmem:$0xD60]  }
0x70: {  	[tilespmem:$0x1FED0] =	vst v29;
	v29 =	vld [tilespmem:$0xDE0]  }
0x71: {  	[tilespmem:$0x1FD80] =	vst v36;
	v36 =	vld [tilespmem:$0xE60]  }
0x72: {  	v1 =	vadd.f32 v1, v0;
	[tilespmem:$0x1FE40] =	vst v58;
	v58 =	vld [tilespmem:$0x11F0]  }
0x73: {  	[tilespmem:$0x1FE10] =	vst v18;
	v62 =	vld [tilespmem:$0x1060]  }
0x74: {  	[tilespmem:$0x1FE90] =	vst v24;
	v18 =	vld [tilespmem:$0x10E0];
	v1 =	vadd.f32 v2, v1  }
0x75: {  	[tilespmem:$0x1FD60] =	vst v30;
	v24 =	vld [tilespmem:$0x1160]  }
0x76: {  	[tilespmem:$0x1FDA0] =	vst v37;
	v30 =	vld [tilespmem:$0x11E0];
	v1 =	vadd.f32 v4, v1  }
0x77: {  	[tilespmem:$0x1FE80] =	vst v58;
	v58 =	vld [tilespmem:$0x1270]  }
0x78: {  	v37 =	vld [tilespmem:$0x1260];
	[tilespmem:$0x1FDD0] =	vst v42;
	v1 =	vadd.f32 v6, v1  }
0x79: {  	v13 =	vld [tilespmem:$0xD70];
	[tilespmem:$0x1FE00] =	vst v43  }
0x7a: {  	[tilespmem:$0x1FE30] =	vst v50;
	v42 =	vld [tilespmem:$0xEE0];
	v1 =	vadd.f32 v9, v1  }
0x7b: {  	[tilespmem:$0x1FE70] =	vst v51;
	v50 =	vld [tilespmem:$0xF60]  }
0x7c: {  	v3 =	vadd.f32 v3, v0;
	v1 =	vadd.f32 v12, v1;
	[tilespmem:$0x1FEC0] =	vst v58;
	v58 =	vld [tilespmem:$0x12F0]  }
0x7d: {  	[tilespmem:$0x1FEF0] =	vst v61;
	v61 =	vld [tilespmem:$0xFE0]  }
0x7e: {  	v3 =	vadd.f32 v5, v3;
	[tilespmem:$0x1FDC0] =	vst v62;
	v43 =	vld [tilespmem:$0x12E0];
	v1 =	vadd.f32 v15, v1  }
0x7f: {  	[tilespmem:$0x1FDF0] =	vst v18;
	v51 =	vld [tilespmem:$0x1360]  }
0x80: {  	v3 =	vadd.f32 v8, v3;
	[tilespmem:$0x1FE20] =	vst v24;
	v18 =	vld [tilespmem:$0xDF0];
	v22 =	vadd.f32 v22, v1  }
0x81: {  	[tilespmem:$0x1FF00] =	vst v58;
	v58 =	vld [tilespmem:$0x1370]  }
0x82: {  	[tilespmem:$0x1FE60] =	vst v30;
	v24 =	vld [tilespmem:$0xE70];
	v3 =	vadd.f32 v11, v3;
	v11 =	vadd.f32 v28, v22  }
0x83: {  	[tilespmem:$0x1FEA0] =	vst v37;
	v30 =	vld [tilespmem:$0xEF0];
	v23 =	vadd.f32 v23, v0  }
0x84: {  	v37 =	vld [tilespmem:$0xF70];
	[tilespmem:$0x1FEE0] =	vst v43;
	v11 =	vadd.f32 v34, v11  }
0x85: {  	v62 =	vld [tilespmem:$0x10F0];
	v23 =	vadd.f32 v29, v23;
	[tilespmem:$0x1FF10] =	vst v51  }
0x86: {  	v43 =	vld [tilespmem:$0xFF0];
	v11 =	vadd.f32 v45, v11;
	v45 =	vadd.f32 v35, v0;
	[tilespmem:$0x1FF30] =	vst v58  }
0x87: {  	v23 =	vadd.f32 v36, v23;
	v51 =	vld [tilespmem:$0x1070];
	_ =	swait.ge [sflag:s13], $0x680  }
0x88: {  	v22 =	vadd.f32 v41, v45;
	v34 =	vld [tilespmem:$0x1FCF0]  }
0x89: {  	v23 =	vadd.f32 v42, v23;
	v11 =	vadd.f32 v47, v11;
	v47 =	vld [tilespmem:$0x1FD40]  }
0x8a: {  	v22 =	vadd.f32 v48, v22;
	v48 =	vld [tilespmem:$0x1FD50]  }
0x8b: {  	v23 =	vadd.f32 v50, v23;
	v11 =	vadd.f32 v53, v11;
	v53 =	vld [tilespmem:$0x1FD70]  }
0x8c: {  	v22 =	vadd.f32 v56, v22;
	v56 =	vld [tilespmem:$0x1FDA0]  }
0x8d: {  	v23 =	vadd.f32 v61, v23;
	v61 =	vld [tilespmem:$0x1FDD0]  }
0x8e: {  	v41 =	vld [tilespmem:$0x1FE00]  }
0x8f: {  	v7 =	vadd.f32 v7, v0;
	v42 =	vld [tilespmem:$0x1FE10]  }
0x90: {  	v17 =	vadd.f32 v17, v0;
	[sflag:s13] =	ssyncset.done $0x0;
	v45 =	vld [tilespmem:$0x1FE40]  }
0x91: {  	v7 =	vadd.f32 v10, v7;
	v50 =	vld [tilespmem:$0x1FE90];
	[sflag:s13] =	ssyncadd.s32 $0xFFFFF980  }
0x92: {  	v17 =	vadd.f32 v19, v17;
	v58 =	vld [tilespmem:$0x1380]  }
0x93: {  	v14 =	vadd.f32 v14, v7;
	v19 =	vld [tilespmem:$0x1680]  }
0x94: {  	v25 =	vadd.f32 v25, v17;
	v17 =	vld [tilespmem:$0x1780]  }
0x95: {  	v5 =	vadd.f32 v20, v14;
	v14 =	vld [tilespmem:$0x1980]  }
0x96: {  	v10 =	vld [tilespmem:$0x1390]  }
0x97: {  	v16 =	vadd.f32 v16, v3;
	v3 =	vld [tilespmem:$0x1410]  }
0x98: {  	v9 =	vld [tilespmem:$0x1690]  }
0x99: {  	v1 =	vld [tilespmem:$0x1790]  }
0x9a: {  	v29 =	vld [tilespmem:$0x1920]  }
0x9b: {  	v35 =	vld [tilespmem:$0x15B0]  }
0x9c: {  	v36 =	vld [tilespmem:$0x1630]  }
0x9d: {  	[tilespmem:$0x1FF20] =	vst v58;
	v58 =	vld [tilespmem:$0x1400]  }
0x9e: {  	[tilespmem:$0x1FF90] =	vst v19;
	v19 =	vadd.f32 v31, v25;
	v25 =	vld [tilespmem:$0x1800]  }
0x9f: {  	v31 =	vld [tilespmem:$0x1880]  }
0xa0: {  	v2 =	vadd.f32 v39, v19;
	v39 =	vld [tilespmem:$0x1900]  }
0xa1: {  	v19 =	vadd.f32 v21, v16;
	v21 =	vld [tilespmem:$0x1FC90]  }
0xa2: {  	v16 =	vld [tilespmem:$0x13A0]  }
0xa3: {  	v7 =	vadd.f32 v27, v19;
	v27 =	vld [tilespmem:$0x1FCB0]  }
0xa4: {  	v2 =	vadd.f32 v44, v2;
	v19 =	vld [tilespmem:$0x14A0]  }
0xa5: {  	v44 =	vadd.f32 v49, v0;
	v0 =	vadd.f32 v13, v0;
	v13 =	vld [tilespmem:$0x16A0]  }
0xa6: {  	v49 =	vld [tilespmem:$0x1FD60]  }
0xa7: {  	[tilespmem:$0x1FF40] =	vst v58;
	v58 =	vld [tilespmem:$0x1480]  }
0xa8: {  	[tilespmem:$0x1FFC0] =	vst v25;
	v25 =	vld [tilespmem:$0x1FCA0]  }
0xa9: {  	[tilespmem:$0x1FFD0] =	vst v31;
	v31 =	vld [tilespmem:$0x1FCC0]  }
0xaa: {  	[tilespmem:$0x1FFB0] =	vst v17;
	v17 =	vadd.f32 v54, v2;
	v2 =	vld [tilespmem:$0x1510]  }
0xab: {  	v7 =	vadd.f32 v33, v7;
	v33 =	vld [tilespmem:$0x1FCE0]  }
0xac: {  	v0 =	vadd.f32 v18, v0;
	v18 =	vld [tilespmem:$0x17A0]  }
0xad: {  	v54 =	vld [tilespmem:$0x1FD80]  }
0xae: {  	[tilespmem:$0x1FFE0] =	vst v39;
	v39 =	vld [tilespmem:$0x1FD10]  }
0xaf: {  	v6 =	vadd.f32 v57, v17;
	v17 =	vld [tilespmem:$0x1420]  }
0xb0: {  	v7 =	vadd.f32 v40, v7;
	v40 =	vld [tilespmem:$0x1FD20]  }
0xb1: {  	v0 =	vadd.f32 v24, v0;
	v24 =	vld [tilespmem:$0x18A0]  }
0xb2: {  	v57 =	vld [tilespmem:$0x1FDB0]  }
0xb3: {  	v22 =	vadd.f32 v49, v22;
	v49 =	vld [tilespmem:$0x1FE80]  }
0xb4: {  	[tilespmem:$0x1FF50] =	vst v58;
	v58 =	vld [tilespmem:$0x1500]  }
0xb5: {  	v28 =	vadd.f32 v46, v7;
	v7 =	vld [tilespmem:$0x1910]  }
0xb6: {  	v6 =	vadd.f32 v21, v6;
	v21 =	vld [tilespmem:$0x1520]  }
0xb7: {  	v46 =	vld [tilespmem:$0x1FD30]  }
0xb8: {  	v0 =	vadd.f32 v30, v0;
	v30 =	vld [tilespmem:$0x19A0]  }
0xb9: {  	v22 =	vadd.f32 v54, v22;
	v54 =	vld [tilespmem:$0x1FEC0]  }
0xba: {  	[tilespmem:$0x1FF60] =	vst v58;
	v58 =	vld [tilespmem:$0x1580]  }
0xbb: {  	v6 =	vadd.f32 v25, v6;
	v25 =	vld [tilespmem:$0x15A0]  }
0xbc: {  	[tilespmem:$0x1FFF0] =	vst v14;
	v14 =	vadd.f32 v63, v28;
	v28 =	vld [tilespmem:$0x1820]  }
0xbd: {  	v63 =	vld [tilespmem:$0x1FDE0]  }
0xbe: {  	v0 =	vadd.f32 v37, v0;
	v37 =	vld [tilespmem:$0x16B0]  }
0xbf: {  	[tilespmem:$0x1FF70] =	vst v58;
	v58 =	vld [tilespmem:$0x1600]  }
0xc0: {  	v22 =	vadd.f32 v56, v22;
	v56 =	vld [tilespmem:$0x1FEE0]  }
0xc1: {  	v6 =	vadd.f32 v27, v6;
	v27 =	vld [tilespmem:$0x1720];
	v0 =	vadd.f32 v43, v0  }
0xc2: {  	v43 =	vld [tilespmem:$0x1FE20]  }
0xc3: {  	v22 =	vadd.f32 v61, v22;
	v61 =	vld [tilespmem:$0x1FF10];
	v0 =	vadd.f32 v51, v0  }
0xc4: {  	[tilespmem:$0x1FF80] =	vst v58;
	v58 =	vld [tilespmem:$0x1700]  }
0xc5: {  	v51 =	vld [tilespmem:$0x1FEA0];
	v0 =	vadd.f32 v62, v0  }
0xc6: {  	v22 =	vadd.f32 v41, v22;
	v41 =	vld [tilespmem:$0x18B0]  }
0xc7: {  	v62 =	vld [tilespmem:$0x1FF20];
	v0 =	vadd.f32 v45, v0  }
0xc8: {  	v45 =	vld [tilespmem:$0x1440]  }
0xc9: {  	v0 =	vadd.f32 v49, v0;
	v49 =	vld [tilespmem:$0x15D0];
	[tilespmem:$0x1FFA0] =	vst v58;
	v58 =	vadd.f32 v26, v5  }
0xca: {  	v5 =	vld [tilespmem:$0x1490]  }
0xcb: {  	v4 =	vadd.f32 v32, v58;
	v32 =	vld [tilespmem:$0x1FCD0]  }
0xcc: {  	v58 =	vld [tilespmem:$0x1FDC0]  }
0xcd: {  	v20 =	vadd.f32 v38, v4;
	v4 =	vld [tilespmem:$0x1590]  }
0xce: {  	v38 =	vld [tilespmem:$0x1FD00]  }
0xcf: {  	v8 =	vadd.f32 v60, v20;
	v60 =	vld [tilespmem:$0x1610]  }
0xd0: {  	v20 =	vadd.f32 v55, v44;
	v55 =	vld [tilespmem:$0x1FD90]  }
0xd1: {  	v44 =	vld [tilespmem:$0x1FE30]  }
0xd2: {  	v15 =	vadd.f32 v32, v6;
	v6 =	vld [tilespmem:$0x1990]  }
0xd3: {  	v32 =	vld [tilespmem:$0x1430]  }
0xd4: {  	v23 =	vadd.f32 v58, v23;
	v58 =	vld [tilespmem:$0x1FF00]  }
0xd5: {  	v8 =	vadd.f32 v52, v8;
	v52 =	vld [tilespmem:$0x1710]  }
0xd6: {  	v20 =	vadd.f32 v46, v20;
	v46 =	vld [tilespmem:$0x1FE50]  }
0xd7: {  	v15 =	vadd.f32 v34, v15;
	v34 =	vld [tilespmem:$0x1530]  }
0xd8: {  	v14 =	vadd.f32 v38, v14;
	v38 =	vld [tilespmem:$0x1730]  }
0xd9: {  	v26 =	vadd.f32 v59, v8;
	v59 =	vld [tilespmem:$0x1810]  }
0xda: {  	v8 =	vld [tilespmem:$0x1890]  }
0xdb: {  	v20 =	vadd.f32 v47, v20;
	v47 =	vld [tilespmem:$0x1FE60]  }
0xdc: {  	v14 =	vadd.f32 v40, v14;
	v40 =	vld [tilespmem:$0x1FDF0]  }
0xdd: {  	v22 =	vadd.f32 v44, v22;
	v44 =	vld [tilespmem:$0x13C0]  }
0xde: {  	v15 =	vadd.f32 v62, v15;
	v62 =	vld [tilespmem:$0x1FF80]  }
0xdf: {  	v12 =	vadd.f32 v31, v26;
	v26 =	vld [tilespmem:$0x1620]  }
0xe0: {  	v31 =	vld [tilespmem:$0x13B0]  }
0xe1: {  	v20 =	vadd.f32 v48, v20;
	v48 =	vld [tilespmem:$0x1FE70]  }
0xe2: {  	v14 =	vadd.f32 v16, v14;
	v16 =	vld [tilespmem:$0x1640]  }
0xe3: {  	v12 =	vadd.f32 v33, v12;
	v33 =	vld [tilespmem:$0x14B0]  }
0xe4: {  	v20 =	vadd.f32 v53, v20;
	v53 =	vld [tilespmem:$0x1FEB0]  }
0xe5: {  	v14 =	vadd.f32 v17, v14;
	v17 =	vld [tilespmem:$0x1740]  }
0xe6: {  	v12 =	vadd.f32 v39, v12;
	v39 =	vld [tilespmem:$0x17B0]  }
0xe7: {  	v23 =	vadd.f32 v40, v23;
	v40 =	vld [tilespmem:$0x1830]  }
0xe8: {  	v20 =	vadd.f32 v55, v20;
	v55 =	vld [tilespmem:$0x1FED0]  }
0xe9: {  	v0 =	vadd.f32 v54, v0;
	v54 =	vadd.f32 v31, v11;
	v11 =	vld [tilespmem:$0x16C0]  }
0xea: {  	v14 =	vadd.f32 v19, v14;
	v19 =	vld [tilespmem:$0x1840]  }
0xeb: {  	v31 =	vld [tilespmem:$0x1450]  }
0xec: {  	v22 =	vadd.f32 v48, v22;
	v48 =	vld [tilespmem:$0x1FFA0]  }
0xed: {  	v23 =	vadd.f32 v43, v23;
	v43 =	vld [tilespmem:$0x19B0]  }
0xee: {  	v20 =	vadd.f32 v57, v20;
	v57 =	vld [tilespmem:$0x1FEF0]  }
0xef: {  	v10 =	vadd.f32 v10, v12;
	v12 =	vld [tilespmem:$0x15C0]  }
0xf0: {  	v22 =	vadd.f32 v53, v22;
	v53 =	vld [tilespmem:$0x1FF40]  }
0xf1: {  	v14 =	vadd.f32 v21, v14;
	v21 =	vld [tilespmem:$0x1940]  }
0xf2: {  	v23 =	vadd.f32 v47, v23;
	v47 =	vld [tilespmem:$0x1540]  }
0xf3: {  	v20 =	vadd.f32 v63, v20;
	v63 =	vld [tilespmem:$0x1FF30]  }
0xf4: {  	v3 =	vadd.f32 v3, v10;
	v10 =	vld [tilespmem:$0x17C0]  }
0xf5: {  	v14 =	vadd.f32 v25, v14;
	v25 =	vld [tilespmem:$0x13D0]  }
0xf6: {  	v20 =	vadd.f32 v42, v20;
	v42 =	vld [tilespmem:$0x1930]  }
0xf7: {  	v0 =	vadd.f32 v58, v0;
	v3 =	vadd.f32 v5, v3;
	v5 =	vld [tilespmem:$0x18C0]  }
0xf8: {  	v23 =	vadd.f32 v51, v23;
	v51 =	vld [tilespmem:$0x1FFB0];
	v22 =	vadd.f32 v57, v22  }
0xf9: {  	v57 =	vld [tilespmem:$0x1FF60];
	v14 =	vadd.f32 v26, v14;
	v20 =	vadd.f32 v46, v20  }
0xfa: {  	v26 =	vld [tilespmem:$0x14D0];
	v23 =	vadd.f32 v56, v23;
	v15 =	vadd.f32 v53, v15  }
0xfb: {  	v46 =	vld [tilespmem:$0x14C0];
	v56 =	vadd.f32 v32, v54;
	v2 =	vadd.f32 v2, v3  }
0xfc: {  	v54 =	vld [tilespmem:$0x1750];
	v0 =	vadd.f32 v63, v0;
	v13 =	vadd.f32 v13, v14  }
0xfd: {  	v63 =	vld [tilespmem:$0x1FF90];
	v20 =	vadd.f32 v50, v20;
	v23 =	vadd.f32 v61, v23  }
0xfe: {  	v58 =	vadd.f32 v33, v56;
	v61 =	vld [tilespmem:$0x1FF70];
	v2 =	vadd.f32 v4, v2  }
0xff: {  	v4 =	vld [tilespmem:$0x19C0];
	v22 =	vadd.f32 v25, v22;
	v13 =	vadd.f32 v27, v13  }
0x100: {  	v50 =	vld [tilespmem:$0x1650];
	v20 =	vadd.f32 v55, v20;
	v3 =	vadd.f32 v34, v58  }
0x101: {  	v55 =	vld [tilespmem:$0x1FF50];
	v2 =	vadd.f32 v60, v2;
	v22 =	vadd.f32 v31, v22  }
0x102: {  	v56 =	vld [tilespmem:$0x17D0];
	v13 =	vadd.f32 v18, v13;
	v3 =	vadd.f32 v35, v3  }
0x103: {  	v58 =	vld [tilespmem:$0x1FFD0];
	v2 =	vadd.f32 v9, v2;
	v20 =	vadd.f32 v44, v20  }
0x104: {  	v9 =	vld [tilespmem:$0x1550];
	v22 =	vadd.f32 v26, v22;
	v13 =	vadd.f32 v28, v13  }
0x105: {  	v35 =	vld [tilespmem:$0x13F0];
	v3 =	vadd.f32 v36, v3;
	v2 =	vadd.f32 v52, v2  }
0x106: {  	v60 =	vld [tilespmem:$0x1950];
	v20 =	vadd.f32 v45, v20;
	v15 =	vadd.f32 v55, v15  }
0x107: {  	v44 =	vld [tilespmem:$0x1660];
	v13 =	vadd.f32 v24, v13;
	v3 =	vadd.f32 v37, v3  }
0x108: {  	v52 =	vld [tilespmem:$0x16D0];
	v1 =	vadd.f32 v1, v2;
	v20 =	vadd.f32 v46, v20  }
0x109: {  	v36 =	vld [tilespmem:$0x1460];
	v15 =	vadd.f32 v57, v15;
	v13 =	vadd.f32 v29, v13  }
0x10a: {  	v45 =	vld [tilespmem:$0x1670];
	v0 =	vadd.f32 v35, v0;
	v9 =	vadd.f32 v9, v22  }
0x10b: {  	v37 =	vld [tilespmem:$0x1470];
	v53 =	vadd.f32 v38, v3;
	v1 =	vadd.f32 v59, v1  }
0x10c: {  	v55 =	vld [tilespmem:$0x1FFC0];
	v20 =	vadd.f32 v47, v20;
	v15 =	vadd.f32 v61, v15  }
0x10d: {  	v24 =	vld [tilespmem:$0x19D0];
	v13 =	vadd.f32 v30, v13;
	v2 =	vadd.f32 v39, v53  }
0x10e: {  	v9 =	vadd.f32 v49, v9;
	v15 =	vadd.f32 v62, v15;
	v62 =	vld [tilespmem:$0x13E0]  }
0x10f: {  	v46 =	vld [tilespmem:$0x16E0];
	v1 =	vadd.f32 v8, v1;
	v2 =	vadd.f32 v40, v2  }
0x110: {  	v57 =	vld [tilespmem:$0x1850];
	v12 =	vadd.f32 v12, v20;
	v0 =	vadd.f32 v37, v0  }
0x111: {  	v39 =	vld [tilespmem:$0x14F0];
	v9 =	vadd.f32 v50, v9;
	v2 =	vadd.f32 v41, v2  }
0x112: {  	v38 =	vld [tilespmem:$0x14E0];
	v1 =	vadd.f32 v7, v1;
	v12 =	vadd.f32 v16, v12  }
0x113: {  	v41 =	vld [tilespmem:$0x1570];
	v2 =	vadd.f32 v42, v2;
	v7 =	vadd.f32 v62, v23  }
0x114: {  	v40 =	vld [tilespmem:$0x1560];
	v15 =	vadd.f32 v63, v15;
	v1 =	vadd.f32 v6, v1  }
0x115: {  	v2 =	vadd.f32 v43, v2;
	v6 =	vadd.f32 v36, v7;
	v43 =	vld [tilespmem:$0x15F0]  }
0x116: {  	v9 =	vadd.f32 v52, v9;
	v0 =	vadd.f32 v39, v0;
	v42 =	vld [tilespmem:$0x15E0]  }
0x117: {  	v59 =	vld [tilespmem:$0x18D0];
	v11 =	vadd.f32 v11, v12;
	v6 =	vadd.f32 v38, v6  }
0x118: {  	v47 =	vld [tilespmem:$0x16F0];
	v15 =	vadd.f32 v48, v15;
	v0 =	vadd.f32 v41, v0  }
0x119: {  	v61 =	vld [tilespmem:$0x1FFE0];
	v3 =	vadd.f32 v54, v9;
	v6 =	vadd.f32 v40, v6  }
0x11a: {  	v49 =	vld [tilespmem:$0x1770];
	v11 =	vadd.f32 v17, v11;
	v0 =	vadd.f32 v43, v0  }
0x11b: {  	v53 =	vld [tilespmem:$0x1870];
	v15 =	vadd.f32 v51, v15;
	v6 =	vadd.f32 v42, v6  }
0x11c: {  	v48 =	vld [tilespmem:$0x1760];
	v3 =	vadd.f32 v56, v3;
	v0 =	vadd.f32 v45, v0  }
0x11d: {  	v51 =	vld [tilespmem:$0x17F0];
	v10 =	vadd.f32 v10, v11;
	v6 =	vadd.f32 v44, v6  }
0x11e: {  	v50 =	vld [tilespmem:$0x17E0];
	v15 =	vadd.f32 v55, v15;
	v0 =	vadd.f32 v47, v0  }
0x11f: {  	v63 =	vld [tilespmem:$0x1FFF0];
	v3 =	vadd.f32 v57, v3;
	v6 =	vadd.f32 v46, v6  }
0x120: {  	v52 =	vld [tilespmem:$0x1860];
	v10 =	vadd.f32 v19, v10;
	v0 =	vadd.f32 v49, v0  }
0x121: {  	v55 =	vld [tilespmem:$0x18F0];
	v15 =	vadd.f32 v58, v15;
	v6 =	vadd.f32 v48, v6  }
0x122: {  	v54 =	vld [tilespmem:$0x18E0];
	v3 =	vadd.f32 v59, v3;
	v0 =	vadd.f32 v51, v0  }
0x123: {  	v57 =	vld [tilespmem:$0x1970];
	v5 =	vadd.f32 v5, v10;
	v6 =	vadd.f32 v50, v6  }
0x124: {  	v56 =	vld [tilespmem:$0x1960];
	v15 =	vadd.f32 v61, v15;
	v0 =	vadd.f32 v53, v0  }
0x125: {  	v59 =	vld [tilespmem:$0x19F0];
	v60 =	vadd.f32 v60, v3;
	v6 =	vadd.f32 v52, v6  }
0x126: {  	[tilespmem:$0x1A20] =	vst v13;
	v58 =	vld [tilespmem:$0x19E0];
	v5 =	vadd.f32 v21, v5;
	v0 =	vadd.f32 v55, v0  }
0x127: {  	[tilespmem:$0x1A10] =	vst v1;
	v15 =	vadd.f32 v63, v15;
	v6 =	vadd.f32 v54, v6  }
0x128: {  	[tilespmem:$0x1A30] =	vst v2;
	v1 =	vadd.f32 v24, v60;
	v0 =	vadd.f32 v57, v0  }
0x129: {  	v61 =	vadd.f32 v4, v5;
	[tilespmem:$0x1A00] =	vst v15;
	v62 =	vadd.f32 v56, v6  }
0x12a: {  	[tilespmem:$0x1A50] =	vst v1;
	v0 =	vadd.f32 v59, v0  }
0x12b: {  	[tilespmem:$0x1A40] =	vst v61;
	v63 =	vadd.f32 v58, v62  }
0x12c: {  	p0 =	sne.s32 s8, $0x1;
	[tilespmem:$0x1A70] =	vst v0  }
.Ltmp0:
0x12d: {  	[tilespmem:$0x1A60] =	vst v63;
	(pc) =	sbr.rel @p0 .LBB2_1-.Ltmp0, $4  }
0x12e: {  	[hbm4b:s7+s3] =	stream.linear.scatter [tilespmem:s16], [sflag:$0x4], $0x80, $0x38;
	[tilespmem:$0x1B00] =	vst v63  }
0x12f: {  	_ =	swait.ge [sflag:s17], $0x80  }
0x130: {  	[sflag:s17] =	ssyncset.done $0x0  }
0x131: {  	s8 =	sadd.s32 $0xFFFFFFFF, s8;
	[sflag:s17] =	ssyncadd.s32 $0xFFFFFF80  }
0x132: {  	_ =	sfence.sel $0x180000  }
0x133: {  	[bflag:$0x0] =	sbarrier.arrive $0xFFFF  }
0x134: {  	p0 =	sne.s32 s0, $0x0;
	_ =	strace $0x90000047  }
0x135: {  	s0 =	sadd.s32 @!p0 $0x100000, s1;
	[bflag:$0x2] =	sbarrier.arrive $0xFFFF  }
0x136: {  	[sflag:s0] =	ssyncadd.tile.s32 @!p0 $0x1;
	_ =	shalt  }
.Lfunc_end2:
_tile_overlayer_lowered:
.L_overlay_start_2:
0x137: {  	(tag) =	ssettag $0x2  }
0x138: {  	s0 =	rddreg [dreg:$0x0];
	s2 =	stileid.u32  }
0x139: {  	s1 =	rddreg [dreg:$0x1];
	p0 =	sne.s32 s2, $0x0  }
0x13a: {  	s3 =	rddreg [dreg:$0x2];
	[bflag:$0x3] =	sbarrier.arrive $0xFFFF;
	s2 =	simm.s32 @!p0 $0x1C04  }
0x13b: {  	[timem:s3], [sflag:s2] =	dma.local @!p0 [hbm:s0], s1  }
0x13c: {  	s0 =	simm.s32 @!p0 $0x4  }
0x13d: {  	_ =	swait.ge @!p0 [sflag:s0], s1  }
0x13e: {  	s1 =	ssub.s32 @!p0 $0x0, s1;
	[sflag:s0] =	ssyncset.done @!p0 $0x0  }
0x13f: {  	[sflag:s0] =	ssyncadd.s32 @!p0 s1  }
0x140: {  	[bflag:$0x3] =	sbarrier.arrive $0xFFFF  }
0x141: {  	_ =	shalt  }

</sc_bundles>
